<compile_context>
chip_gen: v7x
topology: tpu7x:2x2x1
jax: 0.10.2.dev20260603
libtpu: 0.0.44.dev20260713+nightly
codegen_flags: <defaults>
</compile_context>

<pallas_src>
import functools

import jax
import jax.numpy as jnp
from jax import lax
from jax.experimental import pallas as pl
from jax.experimental.pallas import tpu as pltpu
from jax.experimental.pallas import tpu_sc as plsc

NP, E, NN, PF, NF = 10000, 320000, 10000, 128, 32
NC, NS, L = 2, 16, 16
NW = NC * NS
CH = 80
NCHUNK = E // (NW * CH)
RPS = NN // NS

def _mesh():
    return plsc.VectorSubcoreMesh(core_axis_name="c", subcore_axis_name="s",
                                  num_cores=NC, num_subcores=NS)


def _stage1_body(xu, xv, xy, w1u, w1v, w1y, wxu, wxv, wxy,
                 yu, yv, yy, au, av, ay):
    for x, w1, wx, y, a in ((xu, w1u, wxu, yu, au),
                            (xv, w1v, wxv, yv, av),
                            (xy, w1y, wxy, yy, ay)):
        xb = x[...]
        y[...] = jnp.dot(xb, w1[...], preferred_element_type=jnp.float32)
        a[...] = jnp.dot(xb, wx[...], preferred_element_type=jnp.float32)


def _stage1(x_u, x_v, x_y, w1s, wxs):
    bm = 2000
    grid = (NP // bm,)
    xspec = pl.BlockSpec((bm, PF), lambda i: (i, 0))
    wspec = pl.BlockSpec((PF, NF), lambda i: (0, 0))
    ospec = pl.BlockSpec((bm, NF), lambda i: (i, 0))
    return pl.pallas_call(
        _stage1_body,
        grid=grid,
        in_specs=[xspec] * 3 + [wspec] * 6,
        out_specs=[ospec] * 6,
        out_shape=[jax.ShapeDtypeStruct((NP, NF), jnp.float32)] * 6,
    )(x_u, x_v, x_y, *w1s, *wxs)


RCH = 1000
NRCH = NN // RCH


def _up_body(yu, yv, yy, su, sv, sy, du, dv, dy, zacc, zcnt,
             up_out, cnt_out,
             src_b, dst_b, rows_b, cnt_l, acc, sem):
    c = lax.axis_index("c")
    s = lax.axis_index("s")
    w = c * NS + s

    @pl.when(s < NRCH)
    def _zero():
        pltpu.sync_copy(zacc.at[pl.ds(s * RCH, RCH)],
                        acc.at[pl.ds(s * RCH, RCH)])

    pltpu.sync_copy(zcnt, cnt_l)
    plsc.subcore_barrier()
    ones = jnp.full((L,), 1.0, jnp.float32)
    for p, (y, sr, ds_) in enumerate(((yu, su, du), (yv, sv, dv),
                                      (yy, sy, dy))):
        off = jnp.full((L,), p * NP, jnp.int32)

        def chunk(j, _, y=y, sr=sr, ds_=ds_, off=off):
            base = pl.multiple_of((w * NCHUNK + j) * CH, CH)
            pltpu.sync_copy(sr.at[pl.ds(base, CH)], src_b)
            pltpu.sync_copy(ds_.at[pl.ds(base, CH)], dst_b)
            cp = pltpu.async_copy(y.at[src_b], rows_b, sem)
            for i in range(CH // L):
                idx = src_b[pl.ds(i * L, L)] + off
                plsc.addupdate_scatter(cnt_l, [idx], ones)
            cp.wait()
            pltpu.sync_copy(rows_b, acc.at[dst_b], add=True)
            return 0

        lax.fori_loop(0, NCHUNK, chunk, 0)
    plsc.subcore_barrier()

    @pl.when(s < NRCH)
    def _out():
        pltpu.sync_copy(acc.at[pl.ds(s * RCH, RCH)],
                        up_out.at[c, pl.ds(s * RCH, RCH)])

    cbase = pl.multiple_of(w * 3 * NP, 8)
    pltpu.sync_copy(cnt_l, cnt_out.at[pl.ds(cbase, 3 * NP)])


def _stage2(ys, srcs, dsts):
    zacc = jnp.zeros((NN, NF), jnp.float32)
    zcnt = jnp.zeros((3 * NP,), jnp.float32)
    return pl.kernel(
        _up_body,
        out_type=[jax.ShapeDtypeStruct((NC, NN, NF), jnp.float32),
                  jax.ShapeDtypeStruct((NW * 3 * NP,), jnp.float32)],
        mesh=_mesh(),
        compiler_params=pltpu.CompilerParams(use_tc_tiling_on_sc=False, needs_layout_passes=False),
        scratch_types=[
            pltpu.VMEM((CH,), jnp.int32),
            pltpu.VMEM((CH,), jnp.int32),
            pltpu.VMEM((CH, NF), jnp.float32),
            pltpu.VMEM((3 * NP,), jnp.float32),
            pltpu.VMEM_SHARED((NN, NF), jnp.float32),
            pltpu.SemaphoreType.DMA,
        ],
    )(*ys, *srcs, *dsts, zacc, zcnt)


def _stage3_body(up, b1, w2, b2, wnu, wnv, wny, beu, bev, bey,
                 bnu, bnv, bny):
    u = up[...]
    h = u[0] + u[1]
    n = jnp.tanh(h + b1[...])
    n = jnp.tanh(jnp.dot(n, w2[...], preferred_element_type=jnp.float32)
                 + b2[...])
    for wn, be, bn in ((wnu, beu, bnu), (wnv, bev, bnv), (wny, bey, bny)):
        bn[:, :NF] = jnp.dot(n, wn[...],
                             preferred_element_type=jnp.float32) + be[...]
        bn[:, NF:] = n


def _stage3(up, b1, w2, b2, wns, bes):
    return pl.pallas_call(
        _stage3_body,
        out_shape=[jax.ShapeDtypeStruct((NN, 2 * NF), jnp.float32)] * 3,
    )(up, b1, w2, b2, *wns, *bes)


def _down_body(au, av, ay, bnu, bnv, bny, su, sv, sy, du, dv, dy, zacc,
               dpu, dpv, dpy,
               src_b, dst_b, a_b, bn_b, m_b, acc, sem, sem2):
    c = lax.axis_index("c")
    s = lax.axis_index("s")
    w = c * NS + s
    for a, bn, sr, ds_, dp in ((au, bnu, su, du, dpu),
                               (av, bnv, sv, dv, dpv),
                               (ay, bny, sy, dy, dpy)):
        @pl.when(s < NRCH)
        def _zero(a=a):
            pltpu.sync_copy(zacc.at[pl.ds(s * RCH, RCH)],
                            acc.at[pl.ds(s * RCH, RCH)])

        plsc.subcore_barrier()

        def chunk(j, _, a=a, bn=bn, sr=sr, ds_=ds_):
            base = pl.multiple_of((w * NCHUNK + j) * CH, CH)
            pltpu.sync_copy(sr.at[pl.ds(base, CH)], src_b)
            pltpu.sync_copy(ds_.at[pl.ds(base, CH)], dst_b)
            g1 = pltpu.async_copy(a.at[src_b], a_b, sem)
            g2 = pltpu.async_copy(bn.at[dst_b], bn_b, sem2)
            g1.wait()
            g2.wait()

            def edge(e, _):
                for h in range(NF // L):
                    av_ = a_b[e, pl.ds(h * L, L)]
                    bv = bn_b[e, pl.ds(h * L, L)]
                    nj = bn_b[e, pl.ds(NF + h * L, L)]
                    gate = 1.0 / (1.0 + jnp.exp(-(av_ + bv)))
                    m_b[e, pl.ds(h * L, L)] = gate * nj
                return 0

            lax.fori_loop(0, CH, edge, 0)
            pltpu.sync_copy(m_b, acc.at[src_b], add=True)
            return 0

        lax.fori_loop(0, NCHUNK, chunk, 0)
        plsc.subcore_barrier()

        @pl.when(s < NRCH)
        def _out(dp=dp):
            pltpu.sync_copy(acc.at[pl.ds(s * RCH, RCH)],
                            dp.at[c, pl.ds(s * RCH, RCH)])

        plsc.subcore_barrier()


def _stage4(as_, bns, srcs, dsts):
    zacc = jnp.zeros((NP, NF), jnp.float32)
    return pl.kernel(
        _down_body,
        out_type=[jax.ShapeDtypeStruct((NC, NP, NF), jnp.float32)] * 3,
        mesh=_mesh(),
        compiler_params=pltpu.CompilerParams(use_tc_tiling_on_sc=False, needs_layout_passes=False),
        scratch_types=[
            pltpu.VMEM((CH,), jnp.int32),
            pltpu.VMEM((CH,), jnp.int32),
            pltpu.VMEM((CH, NF), jnp.float32),
            pltpu.VMEM((CH, 2 * NF), jnp.float32),
            pltpu.VMEM((CH, NF), jnp.float32),
            pltpu.VMEM_SHARED((NP, NF), jnp.float32),
            pltpu.SemaphoreType.DMA,
            pltpu.SemaphoreType.DMA,
        ],
    )(*as_, *bns, *srcs, *dsts, zacc)


def _stage5_body(dpu, dpv, dpy, cnt, ou, ov, oy):
    c = jnp.sum(cnt[...].reshape(NW, 3, NP), axis=0)
    for p, (dp, o) in enumerate(((dpu, ou), (dpv, ov), (dpy, oy))):
        d = dp[...]
        inv = 1.0 / jnp.maximum(c[p], 1.0)
        o[...] = (d[0] + d[1]) * inv[:, None]


def _stage5(dps, cnt):
    return pl.pallas_call(
        _stage5_body,
        out_shape=[jax.ShapeDtypeStruct((NP, NF), jnp.float32)] * 3,
    )(*dps, cnt.reshape(NW * 3, NP))


def kernel(x_u, x_v, x_y, edge_index_u, edge_index_v, edge_index_y, nexus,
           W1, b1, W2, b2, We_u, be_u, We_v, be_v, We_y, be_y):
    del nexus
    eis = (edge_index_u, edge_index_v, edge_index_y)
    srcs, dsts = [], []
    for ei in eis:
        ei = ei.astype(jnp.int32)
        srcs.append(ei[0])
        dsts.append(ei[1])

    w1s = [W1[p * PF:(p + 1) * PF] for p in range(3)]
    wxs = [We[:PF] for We in (We_u, We_v, We_y)]
    wns = [We[PF:] for We in (We_u, We_v, We_y)]
    bes = (be_u, be_v, be_y)

    yu, yv, yy, au, av, ay = _stage1(x_u, x_v, x_y, w1s, wxs)
    up, cnt = _stage2((yu, yv, yy), srcs, dsts)
    bns = _stage3(up, b1, W2, b2, wns, bes)
    dps = _stage4((au, av, ay), bns, srcs, dsts)
    ou, ov, oy = _stage5(dps, cnt)
    return (ou, ov, oy)

# --- scband reference (transcript-rebuilt; emitter-appended) ---
"""Pipeline reference for scband-nexus-net-4853313045170 (READ-ONLY COPY).

The authoritative reference and input builder live on the scoring server;
editing this copy changes nothing except your own understanding.
"""

import jax, jax.numpy as jnp
import numpy as np

NP, E, NN, PF, NF = 10000, 320000, 10000, 128, 32
PLANES = ["u", "v", "y"]


def _lin(k, fan_in, fan_out):
    b = 1.0 / np.sqrt(fan_in)
    kw, kb = jax.random.split(k)
    W = jax.random.uniform(kw, (fan_in, fan_out), jnp.float32, -b, b)
    bias = jax.random.uniform(kb, (fan_out,), jnp.float32, -b, b)
    return W, bias


def setup_inputs(seed: int = 0) -> dict:
    key = jax.random.key(seed)
    ks = jax.random.split(key, 16)
    inp = {}
    for i, p in enumerate(PLANES):
        inp[f"x_{p}"] = jax.random.normal(ks[i], (NP, PF), jnp.float32)
        inp[f"edge_index_{p}"] = jax.random.randint(ks[3 + i], (2, E), 0, NP, dtype=jnp.int64)
    inp["nexus"] = jax.random.normal(ks[6], (NN, NF), jnp.float32)
    # nexus_net params: Linear(3*PF -> NF), Tanh, Linear(NF -> NF), Tanh
    inp["W1"], inp["b1"] = _lin(ks[7], len(PLANES) * PF, NF)
    inp["W2"], inp["b2"] = _lin(ks[8], NF, NF)
    # per-plane NexusDown edge_net params: Linear(PF+NF -> NF), Sigmoid
    for i, p in enumerate(PLANES):
        inp[f"We_{p}"], inp[f"be_{p}"] = _lin(ks[9 + i], PF + NF, NF)
    return inp


def reference(x_u, x_v, x_y, edge_index_u, edge_index_v, edge_index_y, nexus,
              W1, b1, W2, b2, We_u, be_u, We_v, be_v, We_y, be_y):
    xs = {"u": x_u, "v": x_v, "y": x_y}
    eis = {"u": edge_index_u, "v": edge_index_v, "y": edge_index_y}
    Wes = {"u": (We_u, be_u), "v": (We_v, be_v), "y": (We_y, be_y)}
    n_nexus = nexus.shape[0]

    # nexus_up: SimpleConv (aggr='add', source_to_target) on bipartite (planar -> nexus)
    n_list = []
    for p in PLANES:
        src, dst = eis[p][0], eis[p][1]
        n_list.append(jax.ops.segment_sum(xs[p][src], dst, num_segments=n_nexus))
    n = jnp.concatenate(n_list, axis=-1)

    # nexus_net MLP
    n = jnp.tanh(n @ W1 + b1)
    n = jnp.tanh(n @ W2 + b2)

    # nexus_down per plane: flow='target_to_source' => i = edge_index[0] (planar), j = edge_index[1] (nexus)
    ret = []
    for p in PLANES:
        src, dst = eis[p][0], eis[p][1]
        We, be = Wes[p]
        x_i = xs[p][src]
        n_j = n[dst]
        cat = jax.lax.stop_gradient(jnp.concatenate([x_i, n_j], axis=-1))
        gate = jax.nn.sigmoid(cat @ We + be)
        m = gate * n_j
        n_planar = xs[p].shape[0]
        s = jax.ops.segment_sum(m, src, num_segments=n_planar)
        cnt = jax.ops.segment_sum(jnp.ones((src.shape[0],), jnp.float32), src, num_segments=n_planar)
        ret.append(s / jnp.clip(cnt, 1.0, None)[:, None])
    return tuple(ret)

if __name__ == "__main__":
    import jax
    _d = setup_inputs()
    print(jax.jit(kernel)(*tuple(_d.values())))

</pallas_src>

<mosaic_0001>
#map = affine_map<(d0, d1) -> (0, 0)>
#map1 = affine_map<(d0, d1) -> (0)>
#map2 = affine_map<(d0, d1) -> (0, 0, 0)>
module attributes {stable_mosaic.version = 14 : i64} {
  func.func @_up_body(%arg0: i32, %arg1: i32, %arg2: memref<10000x32xf32, #tpu.memory_space<hbm>>, %arg3: memref<10000x32xf32, #tpu.memory_space<hbm>>, %arg4: memref<10000x32xf32, #tpu.memory_space<hbm>>, %arg5: memref<320000xi32, #tpu.memory_space<hbm>>, %arg6: memref<128xi32, #tpu.memory_space<hbm>>, %arg7: memref<320000xi32, #tpu.memory_space<hbm>>, %arg8: memref<320000xi32, #tpu.memory_space<hbm>>, %arg9: memref<128xi32, #tpu.memory_space<hbm>>, %arg10: memref<320000xi32, #tpu.memory_space<hbm>>, %arg11: memref<10000x32xf32, #tpu.memory_space<hbm>>, %arg12: memref<30000xf32, #tpu.memory_space<hbm>>, %arg13: memref<2x10000x32xf32, #tpu.memory_space<hbm>>, %arg14: memref<960000xf32, #tpu.memory_space<hbm>>, %arg15: memref<80xi32, #tpu.memory_space<vmem>>, %arg16: memref<80xi32, #tpu.memory_space<vmem>>, %arg17: memref<80x32xf32, #tpu.memory_space<vmem>>, %arg18: memref<30000xf32, #tpu.memory_space<vmem>>, %arg19: memref<10000x32xf32, #tpu.memory_space<vmem_shared>>, %arg20: memref<!tpu.dma_semaphore, #tpu.memory_space<semaphore_mem>>) attributes {dimension_semantics = [#tpu.dimension_semantics<core_parallel>, #tpu.dimension_semantics<subcore_parallel>], iteration_bounds = array<i64: 2, 16>, scalar_prefetch = 0 : i64, scratch_operands = 6 : i64, tpu.core_type = #tpu.core_type<sc_vector_subcore>, window_params = [{transform_indices = #map}, {transform_indices = #map}, {transform_indices = #map}, {transform_indices = #map1}, {transform_indices = #map1}, {transform_indices = #map1}, {transform_indices = #map1}, {transform_indices = #map1}, {transform_indices = #map1}, {transform_indices = #map}, {transform_indices = #map1}, {transform_indices = #map2}, {transform_indices = #map1}]} {
    %mul3A = arith.constant 16 : i32
    %mul3A_0 = arith.muli %arg0, %mul3A : i32
    %add3A = arith.addi %mul3A_0, %arg1 : i32
    %lt3A = arith.constant 10 : i32
    %lt3A_1 = arith.cmpi slt, %arg1, %lt3A : i32
    %convert_element_type3A = arith.extui %lt3A_1 : i1 to i32
    %cond3A = arith.constant 0 : i32
    %cond3A_2 = arith.cmpi ne, %convert_element_type3A, %cond3A : i32
    scf.if %cond3A_2 {
      %mul3A_40 = arith.constant 1000 : i32
      %mul3A_41 = arith.muli %arg1, %mul3A_40 : i32
      %mul3A_42 = arith.constant 1000 : i32
      %mul3A_43 = arith.muli %arg1, %mul3A_42 : i32
      "tpu.region"() ({
        %run_scoped3A = tpu.sem_alloc : memref<!tpu.dma_semaphore, #tpu.memory_space<semaphore_mem>>
        %dma_start3A = arith.constant 0 : i32
        %dma_start3A_44 = tpu.memref_slice %arg19[%mul3A_43, %dma_start3A] : memref<10000x32xf32, #tpu.memory_space<vmem_shared>> -> memref<1000x32xf32, #tpu.memory_space<vmem_shared>>
        %dma_start3A_45 = arith.constant 0 : i32
        %dma_start3A_46 = tpu.memref_slice %arg11[%mul3A_41, %dma_start3A_45] : memref<10000x32xf32, #tpu.memory_space<hbm>> -> memref<1000x32xf32, #tpu.memory_space<hbm>>
        tpu.enqueue_dma source(%dma_start3A_46 : memref<1000x32xf32, #tpu.memory_space<hbm>>) target(%dma_start3A_44 : memref<1000x32xf32, #tpu.memory_space<vmem_shared>>) target_semaphore(%run_scoped3A : memref<!tpu.dma_semaphore, #tpu.memory_space<semaphore_mem>>)
        %dma_wait3A = arith.constant 0 : i32
        %dma_wait3A_47 = tpu.memref_slice %arg19[%mul3A_43, %dma_wait3A] : memref<10000x32xf32, #tpu.memory_space<vmem_shared>> -> memref<1000x32xf32, #tpu.memory_space<vmem_shared>>
        %dma_wait3A_48 = arith.constant 0 : i32
        %dma_wait3A_49 = tpu.memref_slice %arg11[%mul3A_41, %dma_wait3A_48] : memref<10000x32xf32, #tpu.memory_space<hbm>> -> memref<1000x32xf32, #tpu.memory_space<hbm>>
        tpu.wait_dma2 semaphore(%run_scoped3A : memref<!tpu.dma_semaphore, #tpu.memory_space<semaphore_mem>>) src(%dma_wait3A_49 : memref<1000x32xf32, #tpu.memory_space<hbm>>) dst(%dma_wait3A_47 : memref<1000x32xf32, #tpu.memory_space<vmem_shared>>)
        tpu.yield
      }) : () -> ()
    } else {
    }
    "tpu.region"() ({
      %run_scoped3A = tpu.sem_alloc : memref<!tpu.dma_semaphore, #tpu.memory_space<semaphore_mem>>
      tpu.enqueue_dma source(%arg12 : memref<30000xf32, #tpu.memory_space<hbm>>) target(%arg18 : memref<30000xf32, #tpu.memory_space<vmem>>) target_semaphore(%run_scoped3A : memref<!tpu.dma_semaphore, #tpu.memory_space<semaphore_mem>>)
      tpu.wait_dma2 semaphore(%run_scoped3A : memref<!tpu.dma_semaphore, #tpu.memory_space<semaphore_mem>>) src(%arg12 : memref<30000xf32, #tpu.memory_space<hbm>>) dst(%arg18 : memref<30000xf32, #tpu.memory_space<vmem>>)
      tpu.yield
    }) : () -> ()
    %barrier3A = arith.constant 0 : index
    tpu.barrier barrier_id(%barrier3A)
    %broadcast_in_dim3A = arith.constant 1.000000e+00 : f32
    %broadcast_in_dim3A_3 = vector.broadcast %broadcast_in_dim3A : f32 to vector<16xf32>
    %broadcast_in_dim3A_4 = arith.constant 0 : i32
    %broadcast_in_dim3A_5 = vector.broadcast %broadcast_in_dim3A_4 : i32 to vector<16xi32>
    %scan3A = arith.constant 0 : i32
    %scan3A_6 = arith.constant 0 : i32
    %scan3A_7 = arith.constant 125 : i32
    %scan3A_8 = arith.addi %scan3A_6, %scan3A_7 : i32
    %scan3A_9 = arith.constant 1 : i32
    %scan3A_10 = scf.for %scan3A_40 = %scan3A_6 to %scan3A_8 step %scan3A_9 iter_args(%scan3A_41 = %scan3A) -> (i32)  : i32 {
      %mul3A_42 = arith.constant 125 : i32
      %mul3A_43 = arith.muli %add3A, %mul3A_42 : i32
      %add3A_44 = arith.addi %mul3A_43, %scan3A_40 : i32
      %mul3A_45 = arith.constant 80 : i32
      %mul3A_46 = arith.muli %add3A_44, %mul3A_45 : i32
      %multiple_of3A_47 = tpu.assume_multiple %mul3A_46, 80 : i32
      "tpu.region"() ({
        %run_scoped3A = tpu.sem_alloc : memref<!tpu.dma_semaphore, #tpu.memory_space<semaphore_mem>>
        %dma_start3A_67 = tpu.memref_slice %arg5[%multiple_of3A_47] : memref<320000xi32, #tpu.memory_space<hbm>> -> memref<80xi32, #tpu.memory_space<hbm>>
        %dma_start3A_68 = tpu.memref_slice %arg5[%multiple_of3A_47] : memref<320000xi32, #tpu.memory_space<hbm>> -> memref<80xi32, #tpu.memory_space<hbm>>
        tpu.enqueue_dma source(%dma_start3A_68 : memref<80xi32, #tpu.memory_space<hbm>>) target(%arg15 : memref<80xi32, #tpu.memory_space<vmem>>) target_semaphore(%run_scoped3A : memref<!tpu.dma_semaphore, #tpu.memory_space<semaphore_mem>>)
        %dma_wait3A_69 = tpu.memref_slice %arg5[%multiple_of3A_47] : memref<320000xi32, #tpu.memory_space<hbm>> -> memref<80xi32, #tpu.memory_space<hbm>>
        %dma_wait3A_70 = tpu.memref_slice %arg5[%multiple_of3A_47] : memref<320000xi32, #tpu.memory_space<hbm>> -> memref<80xi32, #tpu.memory_space<hbm>>
        tpu.wait_dma2 semaphore(%run_scoped3A : memref<!tpu.dma_semaphore, #tpu.memory_space<semaphore_mem>>) src(%dma_wait3A_70 : memref<80xi32, #tpu.memory_space<hbm>>) dst(%arg15 : memref<80xi32, #tpu.memory_space<vmem>>)
        tpu.yield
      }) : () -> ()
      "tpu.region"() ({
        %run_scoped3A = tpu.sem_alloc : memref<!tpu.dma_semaphore, #tpu.memory_space<semaphore_mem>>
        %dma_start3A_67 = tpu.memref_slice %arg8[%multiple_of3A_47] : memref<320000xi32, #tpu.memory_space<hbm>> -> memref<80xi32, #tpu.memory_space<hbm>>
        %dma_start3A_68 = tpu.memref_slice %arg8[%multiple_of3A_47] : memref<320000xi32, #tpu.memory_space<hbm>> -> memref<80xi32, #tpu.memory_space<hbm>>
        tpu.enqueue_dma source(%dma_start3A_68 : memref<80xi32, #tpu.memory_space<hbm>>) target(%arg16 : memref<80xi32, #tpu.memory_space<vmem>>) target_semaphore(%run_scoped3A : memref<!tpu.dma_semaphore, #tpu.memory_space<semaphore_mem>>)
        %dma_wait3A_69 = tpu.memref_slice %arg8[%multiple_of3A_47] : memref<320000xi32, #tpu.memory_space<hbm>> -> memref<80xi32, #tpu.memory_space<hbm>>
        %dma_wait3A_70 = tpu.memref_slice %arg8[%multiple_of3A_47] : memref<320000xi32, #tpu.memory_space<hbm>> -> memref<80xi32, #tpu.memory_space<hbm>>
        tpu.wait_dma2 semaphore(%run_scoped3A : memref<!tpu.dma_semaphore, #tpu.memory_space<semaphore_mem>>) src(%dma_wait3A_70 : memref<80xi32, #tpu.memory_space<hbm>>) dst(%arg16 : memref<80xi32, #tpu.memory_space<vmem>>)
        tpu.yield
      }) : () -> ()
      %dma_start3A = arith.constant 0 : i32
      %dma_start3A_48 = arith.constant 0 : i32
      %dma_start3A_49 = tpu.memref_slice %arg2[%dma_start3A, %dma_start3A_48] : memref<10000x32xf32, #tpu.memory_space<hbm>> -> memref<10000x32xf32, #tpu.memory_space<hbm>>
      tpu.enqueue_indirect_dma source(%dma_start3A_49 : memref<10000x32xf32, #tpu.memory_space<hbm>>) target(%arg17 : memref<80x32xf32, #tpu.memory_space<vmem>>) offsets(%arg15 : memref<80xi32, #tpu.memory_space<vmem>>) semaphore(%arg20 : memref<!tpu.dma_semaphore, #tpu.memory_space<semaphore_mem>>)
      %get3A = arith.constant 0 : index
      %get3A_50 = tpu.vector_load %arg15[%get3A] {strides = array<i32>} : memref<80xi32, #tpu.memory_space<vmem>>, vector<16xi32>,
      %add3A_51 = arith.addi %get3A_50, %broadcast_in_dim3A_5 : vector<16xi32>
      tpu.vector_store_idx %arg18[%add3A_51], %broadcast_in_dim3A_3 {add = true} : memref<30000xf32, #tpu.memory_space<vmem>>[vector<16xi32>], vector<16xf32>,
      %get3A_52 = arith.constant 16 : index
      %get3A_53 = tpu.vector_load %arg15[%get3A_52] {strides = array<i32>} : memref<80xi32, #tpu.memory_space<vmem>>, vector<16xi32>,
      %add3A_54 = arith.addi %get3A_53, %broadcast_in_dim3A_5 : vector<16xi32>
      tpu.vector_store_idx %arg18[%add3A_54], %broadcast_in_dim3A_3 {add = true} : memref<30000xf32, #tpu.memory_space<vmem>>[vector<16xi32>], vector<16xf32>,
      %get3A_55 = arith.constant 32 : index
      %get3A_56 = tpu.vector_load %arg15[%get3A_55] {strides = array<i32>} : memref<80xi32, #tpu.memory_space<vmem>>, vector<16xi32>,
      %add3A_57 = arith.addi %get3A_56, %broadcast_in_dim3A_5 : vector<16xi32>
      tpu.vector_store_idx %arg18[%add3A_57], %broadcast_in_dim3A_3 {add = true} : memref<30000xf32, #tpu.memory_space<vmem>>[vector<16xi32>], vector<16xf32>,
      %get3A_58 = arith.constant 48 : index
      %get3A_59 = tpu.vector_load %arg15[%get3A_58] {strides = array<i32>} : memref<80xi32, #tpu.memory_space<vmem>>, vector<16xi32>,
      %add3A_60 = arith.addi %get3A_59, %broadcast_in_dim3A_5 : vector<16xi32>
      tpu.vector_store_idx %arg18[%add3A_60], %broadcast_in_dim3A_3 {add = true} : memref<30000xf32, #tpu.memory_space<vmem>>[vector<16xi32>], vector<16xf32>,
      %get3A_61 = arith.constant 64 : index
      %get3A_62 = tpu.vector_load %arg15[%get3A_61] {strides = array<i32>} : memref<80xi32, #tpu.memory_space<vmem>>, vector<16xi32>,
      %add3A_63 = arith.addi %get3A_62, %broadcast_in_dim3A_5 : vector<16xi32>
      tpu.vector_store_idx %arg18[%add3A_63], %broadcast_in_dim3A_3 {add = true} : memref<30000xf32, #tpu.memory_space<vmem>>[vector<16xi32>], vector<16xf32>,
      %dma_wait3A = arith.constant 0 : i32
      %dma_wait3A_64 = arith.constant 0 : i32
      %dma_wait3A_65 = tpu.memref_slice %arg2[%dma_wait3A, %dma_wait3A_64] : memref<10000x32xf32, #tpu.memory_space<hbm>> -> memref<10000x32xf32, #tpu.memory_space<hbm>>
      tpu.wait_indirect_dma semaphore(%arg20 : memref<!tpu.dma_semaphore, #tpu.memory_space<semaphore_mem>>) src(%dma_wait3A_65 : memref<10000x32xf32, #tpu.memory_space<hbm>>) dst(%arg17 : memref<80x32xf32, #tpu.memory_space<vmem>>)
      "tpu.region"() ({
        %run_scoped3A = tpu.sem_alloc : memref<!tpu.dma_semaphore, #tpu.memory_space<semaphore_mem>>
        %dma_start3A_67 = arith.constant 0 : i32
        %dma_start3A_68 = arith.constant 0 : i32
        %dma_start3A_69 = tpu.memref_slice %arg19[%dma_start3A_67, %dma_start3A_68] : memref<10000x32xf32, #tpu.memory_space<vmem_shared>> -> memref<10000x32xf32, #tpu.memory_space<vmem_shared>>
        tpu.enqueue_indirect_dma source(%arg17 : memref<80x32xf32, #tpu.memory_space<vmem>>) target(%dma_start3A_69 : memref<10000x32xf32, #tpu.memory_space<vmem_shared>>) offsets(%arg16 : memref<80xi32, #tpu.memory_space<vmem>>) semaphore(%run_scoped3A : memref<!tpu.dma_semaphore, #tpu.memory_space<semaphore_mem>>) {add = true}
        %dma_wait3A_70 = arith.constant 0 : i32
        %dma_wait3A_71 = arith.constant 0 : i32
        %dma_wait3A_72 = tpu.memref_slice %arg19[%dma_wait3A_70, %dma_wait3A_71] : memref<10000x32xf32, #tpu.memory_space<vmem_shared>> -> memref<10000x32xf32, #tpu.memory_space<vmem_shared>>
        tpu.wait_indirect_dma semaphore(%run_scoped3A : memref<!tpu.dma_semaphore, #tpu.memory_space<semaphore_mem>>) src(%arg17 : memref<80x32xf32, #tpu.memory_space<vmem>>) dst(%dma_wait3A_72 : memref<10000x32xf32, #tpu.memory_space<vmem_shared>>)
        tpu.yield
      }) : () -> ()
      %scan3A_66 = arith.constant 0 : i32
      scf.yield %scan3A_66 : i32
    }
    %scan3A_11 = arith.constant 125 : i32
    %broadcast_in_dim3A_12 = arith.constant 10000 : i32
    %broadcast_in_dim3A_13 = vector.broadcast %broadcast_in_dim3A_12 : i32 to vector<16xi32>
    %scan3A_14 = arith.constant 0 : i32
    %scan3A_15 = arith.constant 0 : i32
    %scan3A_16 = arith.constant 125 : i32
    %scan3A_17 = arith.addi %scan3A_15, %scan3A_16 : i32
    %scan3A_18 = arith.constant 1 : i32
    %scan3A_19 = scf.for %scan3A_40 = %scan3A_15 to %scan3A_17 step %scan3A_18 iter_args(%scan3A_41 = %scan3A_14) -> (i32)  : i32 {
      %mul3A_42 = arith.constant 125 : i32
      %mul3A_43 = arith.muli %add3A, %mul3A_42 : i32
      %add3A_44 = arith.addi %mul3A_43, %scan3A_40 : i32
      %mul3A_45 = arith.constant 80 : i32
      %mul3A_46 = arith.muli %add3A_44, %mul3A_45 : i32
      %multiple_of3A_47 = tpu.assume_multiple %mul3A_46, 80 : i32
      "tpu.region"() ({
        %run_scoped3A = tpu.sem_alloc : memref<!tpu.dma_semaphore, #tpu.memory_space<semaphore_mem>>
        %dma_start3A_67 = tpu.memref_slice %arg6[%multiple_of3A_47] : memref<128xi32, #tpu.memory_space<hbm>> -> memref<80xi32, #tpu.memory_space<hbm>>
        %dma_start3A_68 = tpu.memref_slice %arg6[%multiple_of3A_47] : memref<128xi32, #tpu.memory_space<hbm>> -> memref<80xi32, #tpu.memory_space<hbm>>
        tpu.enqueue_dma source(%dma_start3A_68 : memref<80xi32, #tpu.memory_space<hbm>>) target(%arg15 : memref<80xi32, #tpu.memory_space<vmem>>) target_semaphore(%run_scoped3A : memref<!tpu.dma_semaphore, #tpu.memory_space<semaphore_mem>>)
        %dma_wait3A_69 = tpu.memref_slice %arg6[%multiple_of3A_47] : memref<128xi32, #tpu.memory_space<hbm>> -> memref<80xi32, #tpu.memory_space<hbm>>
        %dma_wait3A_70 = tpu.memref_slice %arg6[%multiple_of3A_47] : memref<128xi32, #tpu.memory_space<hbm>> -> memref<80xi32, #tpu.memory_space<hbm>>
        tpu.wait_dma2 semaphore(%run_scoped3A : memref<!tpu.dma_semaphore, #tpu.memory_space<semaphore_mem>>) src(%dma_wait3A_70 : memref<80xi32, #tpu.memory_space<hbm>>) dst(%arg15 : memref<80xi32, #tpu.memory_space<vmem>>)
        tpu.yield
      }) : () -> ()
      "tpu.region"() ({
        %run_scoped3A = tpu.sem_alloc : memref<!tpu.dma_semaphore, #tpu.memory_space<semaphore_mem>>
        %dma_start3A_67 = tpu.memref_slice %arg9[%multiple_of3A_47] : memref<128xi32, #tpu.memory_space<hbm>> -> memref<80xi32, #tpu.memory_space<hbm>>
        %dma_start3A_68 = tpu.memref_slice %arg9[%multiple_of3A_47] : memref<128xi32, #tpu.memory_space<hbm>> -> memref<80xi32, #tpu.memory_space<hbm>>
        tpu.enqueue_dma source(%dma_start3A_68 : memref<80xi32, #tpu.memory_space<hbm>>) target(%arg16 : memref<80xi32, #tpu.memory_space<vmem>>) target_semaphore(%run_scoped3A : memref<!tpu.dma_semaphore, #tpu.memory_space<semaphore_mem>>)
        %dma_wait3A_69 = tpu.memref_slice %arg9[%multiple_of3A_47] : memref<128xi32, #tpu.memory_space<hbm>> -> memref<80xi32, #tpu.memory_space<hbm>>
        %dma_wait3A_70 = tpu.memref_slice %arg9[%multiple_of3A_47] : memref<128xi32, #tpu.memory_space<hbm>> -> memref<80xi32, #tpu.memory_space<hbm>>
        tpu.wait_dma2 semaphore(%run_scoped3A : memref<!tpu.dma_semaphore, #tpu.memory_space<semaphore_mem>>) src(%dma_wait3A_70 : memref<80xi32, #tpu.memory_space<hbm>>) dst(%arg16 : memref<80xi32, #tpu.memory_space<vmem>>)
        tpu.yield
      }) : () -> ()
      %dma_start3A = arith.constant 0 : i32
      %dma_start3A_48 = arith.constant 0 : i32
      %dma_start3A_49 = tpu.memref_slice %arg3[%dma_start3A, %dma_start3A_48] : memref<10000x32xf32, #tpu.memory_space<hbm>> -> memref<10000x32xf32, #tpu.memory_space<hbm>>
      tpu.enqueue_indirect_dma source(%dma_start3A_49 : memref<10000x32xf32, #tpu.memory_space<hbm>>) target(%arg17 : memref<80x32xf32, #tpu.memory_space<vmem>>) offsets(%arg15 : memref<80xi32, #tpu.memory_space<vmem>>) semaphore(%arg20 : memref<!tpu.dma_semaphore, #tpu.memory_space<semaphore_mem>>)
      %get3A = arith.constant 0 : index
      %get3A_50 = tpu.vector_load %arg15[%get3A] {strides = array<i32>} : memref<80xi32, #tpu.memory_space<vmem>>, vector<16xi32>,
      %add3A_51 = arith.addi %get3A_50, %broadcast_in_dim3A_13 : vector<16xi32>
      tpu.vector_store_idx %arg18[%add3A_51], %broadcast_in_dim3A_3 {add = true} : memref<30000xf32, #tpu.memory_space<vmem>>[vector<16xi32>], vector<16xf32>,
      %get3A_52 = arith.constant 16 : index
      %get3A_53 = tpu.vector_load %arg15[%get3A_52] {strides = array<i32>} : memref<80xi32, #tpu.memory_space<vmem>>, vector<16xi32>,
      %add3A_54 = arith.addi %get3A_53, %broadcast_in_dim3A_13 : vector<16xi32>
      tpu.vector_store_idx %arg18[%add3A_54], %broadcast_in_dim3A_3 {add = true} : memref<30000xf32, #tpu.memory_space<vmem>>[vector<16xi32>], vector<16xf32>,
      %get3A_55 = arith.constant 32 : index
      %get3A_56 = tpu.vector_load %arg15[%get3A_55] {strides = array<i32>} : memref<80xi32, #tpu.memory_space<vmem>>, vector<16xi32>,
      %add3A_57 = arith.addi %get3A_56, %broadcast_in_dim3A_13 : vector<16xi32>
      tpu.vector_store_idx %arg18[%add3A_57], %broadcast_in_dim3A_3 {add = true} : memref<30000xf32, #tpu.memory_space<vmem>>[vector<16xi32>], vector<16xf32>,
      %get3A_58 = arith.constant 48 : index
      %get3A_59 = tpu.vector_load %arg15[%get3A_58] {strides = array<i32>} : memref<80xi32, #tpu.memory_space<vmem>>, vector<16xi32>,
      %add3A_60 = arith.addi %get3A_59, %broadcast_in_dim3A_13 : vector<16xi32>
      tpu.vector_store_idx %arg18[%add3A_60], %broadcast_in_dim3A_3 {add = true} : memref<30000xf32, #tpu.memory_space<vmem>>[vector<16xi32>], vector<16xf32>,
      %get3A_61 = arith.constant 64 : index
      %get3A_62 = tpu.vector_load %arg15[%get3A_61] {strides = array<i32>} : memref<80xi32, #tpu.memory_space<vmem>>, vector<16xi32>,
      %add3A_63 = arith.addi %get3A_62, %broadcast_in_dim3A_13 : vector<16xi32>
      tpu.vector_store_idx %arg18[%add3A_63], %broadcast_in_dim3A_3 {add = true} : memref<30000xf32, #tpu.memory_space<vmem>>[vector<16xi32>], vector<16xf32>,
      %dma_wait3A = arith.constant 0 : i32
      %dma_wait3A_64 = arith.constant 0 : i32
      %dma_wait3A_65 = tpu.memref_slice %arg3[%dma_wait3A, %dma_wait3A_64] : memref<10000x32xf32, #tpu.memory_space<hbm>> -> memref<10000x32xf32, #tpu.memory_space<hbm>>
      tpu.wait_indirect_dma semaphore(%arg20 : memref<!tpu.dma_semaphore, #tpu.memory_space<semaphore_mem>>) src(%dma_wait3A_65 : memref<10000x32xf32, #tpu.memory_space<hbm>>) dst(%arg17 : memref<80x32xf32, #tpu.memory_space<vmem>>)
      "tpu.region"() ({
        %run_scoped3A = tpu.sem_alloc : memref<!tpu.dma_semaphore, #tpu.memory_space<semaphore_mem>>
        %dma_start3A_67 = arith.constant 0 : i32
        %dma_start3A_68 = arith.constant 0 : i32
        %dma_start3A_69 = tpu.memref_slice %arg19[%dma_start3A_67, %dma_start3A_68] : memref<10000x32xf32, #tpu.memory_space<vmem_shared>> -> memref<10000x32xf32, #tpu.memory_space<vmem_shared>>
        tpu.enqueue_indirect_dma source(%arg17 : memref<80x32xf32, #tpu.memory_space<vmem>>) target(%dma_start3A_69 : memref<10000x32xf32, #tpu.memory_space<vmem_shared>>) offsets(%arg16 : memref<80xi32, #tpu.memory_space<vmem>>) semaphore(%run_scoped3A : memref<!tpu.dma_semaphore, #tpu.memory_space<semaphore_mem>>) {add = true}
        %dma_wait3A_70 = arith.constant 0 : i32
        %dma_wait3A_71 = arith.constant 0 : i32
        %dma_wait3A_72 = tpu.memref_slice %arg19[%dma_wait3A_70, %dma_wait3A_71] : memref<10000x32xf32, #tpu.memory_space<vmem_shared>> -> memref<10000x32xf32, #tpu.memory_space<vmem_shared>>
        tpu.wait_indirect_dma semaphore(%run_scoped3A : memref<!tpu.dma_semaphore, #tpu.memory_space<semaphore_mem>>) src(%arg17 : memref<80x32xf32, #tpu.memory_space<vmem>>) dst(%dma_wait3A_72 : memref<10000x32xf32, #tpu.memory_space<vmem_shared>>)
        tpu.yield
      }) : () -> ()
      %scan3A_66 = arith.constant 0 : i32
      scf.yield %scan3A_66 : i32
    }
    %scan3A_20 = arith.constant 125 : i32
    %broadcast_in_dim3A_21 = arith.constant 20000 : i32
    %broadcast_in_dim3A_22 = vector.broadcast %broadcast_in_dim3A_21 : i32 to vector<16xi32>
    %scan3A_23 = arith.constant 0 : i32
    %scan3A_24 = arith.constant 0 : i32
    %scan3A_25 = arith.constant 125 : i32
    %scan3A_26 = arith.addi %scan3A_24, %scan3A_25 : i32
    %scan3A_27 = arith.constant 1 : i32
    %scan3A_28 = scf.for %scan3A_40 = %scan3A_24 to %scan3A_26 step %scan3A_27 iter_args(%scan3A_41 = %scan3A_23) -> (i32)  : i32 {
      %mul3A_42 = arith.constant 125 : i32
      %mul3A_43 = arith.muli %add3A, %mul3A_42 : i32
      %add3A_44 = arith.addi %mul3A_43, %scan3A_40 : i32
      %mul3A_45 = arith.constant 80 : i32
      %mul3A_46 = arith.muli %add3A_44, %mul3A_45 : i32
      %multiple_of3A_47 = tpu.assume_multiple %mul3A_46, 80 : i32
      "tpu.region"() ({
        %run_scoped3A = tpu.sem_alloc : memref<!tpu.dma_semaphore, #tpu.memory_space<semaphore_mem>>
        %dma_start3A_67 = tpu.memref_slice %arg7[%multiple_of3A_47] : memref<320000xi32, #tpu.memory_space<hbm>> -> memref<80xi32, #tpu.memory_space<hbm>>
        %dma_start3A_68 = tpu.memref_slice %arg7[%multiple_of3A_47] : memref<320000xi32, #tpu.memory_space<hbm>> -> memref<80xi32, #tpu.memory_space<hbm>>
        tpu.enqueue_dma source(%dma_start3A_68 : memref<80xi32, #tpu.memory_space<hbm>>) target(%arg15 : memref<80xi32, #tpu.memory_space<vmem>>) target_semaphore(%run_scoped3A : memref<!tpu.dma_semaphore, #tpu.memory_space<semaphore_mem>>)
        %dma_wait3A_69 = tpu.memref_slice %arg7[%multiple_of3A_47] : memref<320000xi32, #tpu.memory_space<hbm>> -> memref<80xi32, #tpu.memory_space<hbm>>
        %dma_wait3A_70 = tpu.memref_slice %arg7[%multiple_of3A_47] : memref<320000xi32, #tpu.memory_space<hbm>> -> memref<80xi32, #tpu.memory_space<hbm>>
        tpu.wait_dma2 semaphore(%run_scoped3A : memref<!tpu.dma_semaphore, #tpu.memory_space<semaphore_mem>>) src(%dma_wait3A_70 : memref<80xi32, #tpu.memory_space<hbm>>) dst(%arg15 : memref<80xi32, #tpu.memory_space<vmem>>)
        tpu.yield
      }) : () -> ()
      "tpu.region"() ({
        %run_scoped3A = tpu.sem_alloc : memref<!tpu.dma_semaphore, #tpu.memory_space<semaphore_mem>>
        %dma_start3A_67 = tpu.memref_slice %arg10[%multiple_of3A_47] : memref<320000xi32, #tpu.memory_space<hbm>> -> memref<80xi32, #tpu.memory_space<hbm>>
        %dma_start3A_68 = tpu.memref_slice %arg10[%multiple_of3A_47] : memref<320000xi32, #tpu.memory_space<hbm>> -> memref<80xi32, #tpu.memory_space<hbm>>
        tpu.enqueue_dma source(%dma_start3A_68 : memref<80xi32, #tpu.memory_space<hbm>>) target(%arg16 : memref<80xi32, #tpu.memory_space<vmem>>) target_semaphore(%run_scoped3A : memref<!tpu.dma_semaphore, #tpu.memory_space<semaphore_mem>>)
        %dma_wait3A_69 = tpu.memref_slice %arg10[%multiple_of3A_47] : memref<320000xi32, #tpu.memory_space<hbm>> -> memref<80xi32, #tpu.memory_space<hbm>>
        %dma_wait3A_70 = tpu.memref_slice %arg10[%multiple_of3A_47] : memref<320000xi32, #tpu.memory_space<hbm>> -> memref<80xi32, #tpu.memory_space<hbm>>
        tpu.wait_dma2 semaphore(%run_scoped3A : memref<!tpu.dma_semaphore, #tpu.memory_space<semaphore_mem>>) src(%dma_wait3A_70 : memref<80xi32, #tpu.memory_space<hbm>>) dst(%arg16 : memref<80xi32, #tpu.memory_space<vmem>>)
        tpu.yield
      }) : () -> ()
      %dma_start3A = arith.constant 0 : i32
      %dma_start3A_48 = arith.constant 0 : i32
      %dma_start3A_49 = tpu.memref_slice %arg4[%dma_start3A, %dma_start3A_48] : memref<10000x32xf32, #tpu.memory_space<hbm>> -> memref<10000x32xf32, #tpu.memory_space<hbm>>
      tpu.enqueue_indirect_dma source(%dma_start3A_49 : memref<10000x32xf32, #tpu.memory_space<hbm>>) target(%arg17 : memref<80x32xf32, #tpu.memory_space<vmem>>) offsets(%arg15 : memref<80xi32, #tpu.memory_space<vmem>>) semaphore(%arg20 : memref<!tpu.dma_semaphore, #tpu.memory_space<semaphore_mem>>)
      %get3A = arith.constant 0 : index
      %get3A_50 = tpu.vector_load %arg15[%get3A] {strides = array<i32>} : memref<80xi32, #tpu.memory_space<vmem>>, vector<16xi32>,
      %add3A_51 = arith.addi %get3A_50, %broadcast_in_dim3A_22 : vector<16xi32>
      tpu.vector_store_idx %arg18[%add3A_51], %broadcast_in_dim3A_3 {add = true} : memref<30000xf32, #tpu.memory_space<vmem>>[vector<16xi32>], vector<16xf32>,
      %get3A_52 = arith.constant 16 : index
      %get3A_53 = tpu.vector_load %arg15[%get3A_52] {strides = array<i32>} : memref<80xi32, #tpu.memory_space<vmem>>, vector<16xi32>,
      %add3A_54 = arith.addi %get3A_53, %broadcast_in_dim3A_22 : vector<16xi32>
      tpu.vector_store_idx %arg18[%add3A_54], %broadcast_in_dim3A_3 {add = true} : memref<30000xf32, #tpu.memory_space<vmem>>[vector<16xi32>], vector<16xf32>,
      %get3A_55 = arith.constant 32 : index
      %get3A_56 = tpu.vector_load %arg15[%get3A_55] {strides = array<i32>} : memref<80xi32, #tpu.memory_space<vmem>>, vector<16xi32>,
      %add3A_57 = arith.addi %get3A_56, %broadcast_in_dim3A_22 : vector<16xi32>
      tpu.vector_store_idx %arg18[%add3A_57], %broadcast_in_dim3A_3 {add = true} : memref<30000xf32, #tpu.memory_space<vmem>>[vector<16xi32>], vector<16xf32>,
      %get3A_58 = arith.constant 48 : index
      %get3A_59 = tpu.vector_load %arg15[%get3A_58] {strides = array<i32>} : memref<80xi32, #tpu.memory_space<vmem>>, vector<16xi32>,
      %add3A_60 = arith.addi %get3A_59, %broadcast_in_dim3A_22 : vector<16xi32>
      tpu.vector_store_idx %arg18[%add3A_60], %broadcast_in_dim3A_3 {add = true} : memref<30000xf32, #tpu.memory_space<vmem>>[vector<16xi32>], vector<16xf32>,
      %get3A_61 = arith.constant 64 : index
      %get3A_62 = tpu.vector_load %arg15[%get3A_61] {strides = array<i32>} : memref<80xi32, #tpu.memory_space<vmem>>, vector<16xi32>,
      %add3A_63 = arith.addi %get3A_62, %broadcast_in_dim3A_22 : vector<16xi32>
      tpu.vector_store_idx %arg18[%add3A_63], %broadcast_in_dim3A_3 {add = true} : memref<30000xf32, #tpu.memory_space<vmem>>[vector<16xi32>], vector<16xf32>,
      %dma_wait3A = arith.constant 0 : i32
      %dma_wait3A_64 = arith.constant 0 : i32
      %dma_wait3A_65 = tpu.memref_slice %arg4[%dma_wait3A, %dma_wait3A_64] : memref<10000x32xf32, #tpu.memory_space<hbm>> -> memref<10000x32xf32, #tpu.memory_space<hbm>>
      tpu.wait_indirect_dma semaphore(%arg20 : memref<!tpu.dma_semaphore, #tpu.memory_space<semaphore_mem>>) src(%dma_wait3A_65 : memref<10000x32xf32, #tpu.memory_space<hbm>>) dst(%arg17 : memref<80x32xf32, #tpu.memory_space<vmem>>)
      "tpu.region"() ({
        %run_scoped3A = tpu.sem_alloc : memref<!tpu.dma_semaphore, #tpu.memory_space<semaphore_mem>>
        %dma_start3A_67 = arith.constant 0 : i32
        %dma_start3A_68 = arith.constant 0 : i32
        %dma_start3A_69 = tpu.memref_slice %arg19[%dma_start3A_67, %dma_start3A_68] : memref<10000x32xf32, #tpu.memory_space<vmem_shared>> -> memref<10000x32xf32, #tpu.memory_space<vmem_shared>>
        tpu.enqueue_indirect_dma source(%arg17 : memref<80x32xf32, #tpu.memory_space<vmem>>) target(%dma_start3A_69 : memref<10000x32xf32, #tpu.memory_space<vmem_shared>>) offsets(%arg16 : memref<80xi32, #tpu.memory_space<vmem>>) semaphore(%run_scoped3A : memref<!tpu.dma_semaphore, #tpu.memory_space<semaphore_mem>>) {add = true}
        %dma_wait3A_70 = arith.constant 0 : i32
        %dma_wait3A_71 = arith.constant 0 : i32
        %dma_wait3A_72 = tpu.memref_slice %arg19[%dma_wait3A_70, %dma_wait3A_71] : memref<10000x32xf32, #tpu.memory_space<vmem_shared>> -> memref<10000x32xf32, #tpu.memory_space<vmem_shared>>
        tpu.wait_indirect_dma semaphore(%run_scoped3A : memref<!tpu.dma_semaphore, #tpu.memory_space<semaphore_mem>>) src(%arg17 : memref<80x32xf32, #tpu.memory_space<vmem>>) dst(%dma_wait3A_72 : memref<10000x32xf32, #tpu.memory_space<vmem_shared>>)
        tpu.yield
      }) : () -> ()
      %scan3A_66 = arith.constant 0 : i32
      scf.yield %scan3A_66 : i32
    }
    %scan3A_29 = arith.constant 125 : i32
    %barrier3A_30 = arith.constant 0 : index
    tpu.barrier barrier_id(%barrier3A_30)
    %lt3A_31 = arith.constant 10 : i32
    %lt3A_32 = arith.cmpi slt, %arg1, %lt3A_31 : i32
    %convert_element_type3A_33 = arith.extui %lt3A_32 : i1 to i32
    %cond3A_34 = arith.constant 0 : i32
    %cond3A_35 = arith.cmpi ne, %convert_element_type3A_33, %cond3A_34 : i32
    scf.if %cond3A_35 {
      %mul3A_40 = arith.constant 1000 : i32
      %mul3A_41 = arith.muli %arg1, %mul3A_40 : i32
      %mul3A_42 = arith.constant 1000 : i32
      %mul3A_43 = arith.muli %arg1, %mul3A_42 : i32
      "tpu.region"() ({
        %run_scoped3A = tpu.sem_alloc : memref<!tpu.dma_semaphore, #tpu.memory_space<semaphore_mem>>
        %dma_start3A = arith.constant 0 : i32
        %dma_start3A_44 = tpu.memref_slice %arg13[%arg0, %mul3A_43, %dma_start3A] : memref<2x10000x32xf32, #tpu.memory_space<hbm>> -> memref<1x1000x32xf32, #tpu.memory_space<hbm>>
        %dma_start3A_45 = tpu.memref_squeeze %dma_start3A_44 : memref<1x1000x32xf32, #tpu.memory_space<hbm>> -> memref<1000x32xf32, #tpu.memory_space<hbm>>
        %dma_start3A_46 = arith.constant 0 : i32
        %dma_start3A_47 = tpu.memref_slice %arg19[%mul3A_41, %dma_start3A_46] : memref<10000x32xf32, #tpu.memory_space<vmem_shared>> -> memref<1000x32xf32, #tpu.memory_space<vmem_shared>>
        tpu.enqueue_dma source(%dma_start3A_47 : memref<1000x32xf32, #tpu.memory_space<vmem_shared>>) target(%dma_start3A_45 : memref<1000x32xf32, #tpu.memory_space<hbm>>) target_semaphore(%run_scoped3A : memref<!tpu.dma_semaphore, #tpu.memory_space<semaphore_mem>>)
        %dma_wait3A = arith.constant 0 : i32
        %dma_wait3A_48 = tpu.memref_slice %arg13[%arg0, %mul3A_43, %dma_wait3A] : memref<2x10000x32xf32, #tpu.memory_space<hbm>> -> memref<1x1000x32xf32, #tpu.memory_space<hbm>>
        %dma_wait3A_49 = tpu.memref_squeeze %dma_wait3A_48 : memref<1x1000x32xf32, #tpu.memory_space<hbm>> -> memref<1000x32xf32, #tpu.memory_space<hbm>>
        %dma_wait3A_50 = arith.constant 0 : i32
        %dma_wait3A_51 = tpu.memref_slice %arg19[%mul3A_41, %dma_wait3A_50] : memref<10000x32xf32, #tpu.memory_space<vmem_shared>> -> memref<1000x32xf32, #tpu.memory_space<vmem_shared>>
        tpu.wait_dma2 semaphore(%run_scoped3A : memref<!tpu.dma_semaphore, #tpu.memory_space<semaphore_mem>>) src(%dma_wait3A_51 : memref<1000x32xf32, #tpu.memory_space<vmem_shared>>) dst(%dma_wait3A_49 : memref<1000x32xf32, #tpu.memory_space<hbm>>)
        tpu.yield
      }) : () -> ()
    } else {
    }
    %mul3A_36 = arith.constant 3 : i32
    %mul3A_37 = arith.muli %add3A, %mul3A_36 : i32
    %mul3A_38 = arith.constant 10000 : i32
    %mul3A_39 = arith.muli %mul3A_37, %mul3A_38 : i32
    %multiple_of3A = tpu.assume_multiple %mul3A_39, 8 : i32
    "tpu.region"() ({
      %run_scoped3A = tpu.sem_alloc : memref<!tpu.dma_semaphore, #tpu.memory_space<semaphore_mem>>
      %dma_start3A = tpu.memref_slice %arg14[%multiple_of3A] : memref<960000xf32, #tpu.memory_space<hbm>> -> memref<30000xf32, #tpu.memory_space<hbm>>
      %dma_start3A_40 = tpu.memref_slice %arg14[%multiple_of3A] : memref<960000xf32, #tpu.memory_space<hbm>> -> memref<30000xf32, #tpu.memory_space<hbm>>
      tpu.enqueue_dma source(%arg18 : memref<30000xf32, #tpu.memory_space<vmem>>) target(%dma_start3A_40 : memref<30000xf32, #tpu.memory_space<hbm>>) target_semaphore(%run_scoped3A : memref<!tpu.dma_semaphore, #tpu.memory_space<semaphore_mem>>)
      %dma_wait3A = tpu.memref_slice %arg14[%multiple_of3A] : memref<960000xf32, #tpu.memory_space<hbm>> -> memref<30000xf32, #tpu.memory_space<hbm>>
      %dma_wait3A_41 = tpu.memref_slice %arg14[%multiple_of3A] : memref<960000xf32, #tpu.memory_space<hbm>> -> memref<30000xf32, #tpu.memory_space<hbm>>
      tpu.wait_dma2 semaphore(%run_scoped3A : memref<!tpu.dma_semaphore, #tpu.memory_space<semaphore_mem>>) src(%arg18 : memref<30000xf32, #tpu.memory_space<vmem>>) dst(%dma_wait3A_41 : memref<30000xf32, #tpu.memory_space<hbm>>)
      tpu.yield
    }) : () -> ()
    return
  }
}

#map = affine_map<(d0, d1) -> (0, 0)>
#map1 = affine_map<(d0, d1) -> (0)>
#map2 = affine_map<(d0, d1) -> (0, 0, 0)>
module attributes {stable_mosaic.version = 14 : i64} {
  func.func @_down_body(%arg0: i32, %arg1: i32, %arg2: memref<10000x32xf32, #tpu.memory_space<hbm>>, %arg3: memref<10000x32xf32, #tpu.memory_space<hbm>>, %arg4: memref<10000x32xf32, #tpu.memory_space<hbm>>, %arg5: memref<10000x64xf32, #tpu.memory_space<hbm>>, %arg6: memref<10000x64xf32, #tpu.memory_space<hbm>>, %arg7: memref<10000x64xf32, #tpu.memory_space<hbm>>, %arg8: memref<320000xi32, #tpu.memory_space<hbm>>, %arg9: memref<128xi32, #tpu.memory_space<hbm>>, %arg10: memref<320000xi32, #tpu.memory_space<hbm>>, %arg11: memref<320000xi32, #tpu.memory_space<hbm>>, %arg12: memref<128xi32, #tpu.memory_space<hbm>>, %arg13: memref<320000xi32, #tpu.memory_space<hbm>>, %arg14: memref<10000x32xf32, #tpu.memory_space<hbm>>, %arg15: memref<2x10000x32xf32, #tpu.memory_space<hbm>>, %arg16: memref<2x10000x32xf32, #tpu.memory_space<hbm>>, %arg17: memref<2x10000x32xf32, #tpu.memory_space<hbm>>, %arg18: memref<80xi32, #tpu.memory_space<vmem>>, %arg19: memref<80xi32, #tpu.memory_space<vmem>>, %arg20: memref<80x32xf32, #tpu.memory_space<vmem>>, %arg21: memref<80x64xf32, #tpu.memory_space<vmem>>, %arg22: memref<80x32xf32, #tpu.memory_space<vmem>>, %arg23: memref<10000x32xf32, #tpu.memory_space<vmem_shared>>, %arg24: memref<!tpu.dma_semaphore, #tpu.memory_space<semaphore_mem>>, %arg25: memref<!tpu.dma_semaphore, #tpu.memory_space<semaphore_mem>>) attributes {dimension_semantics = [#tpu.dimension_semantics<core_parallel>, #tpu.dimension_semantics<subcore_parallel>], iteration_bounds = array<i64: 2, 16>, scalar_prefetch = 0 : i64, scratch_operands = 8 : i64, tpu.core_type = #tpu.core_type<sc_vector_subcore>, window_params = [{transform_indices = #map}, {transform_indices = #map}, {transform_indices = #map}, {transform_indices = #map}, {transform_indices = #map}, {transform_indices = #map}, {transform_indices = #map1}, {transform_indices = #map1}, {transform_indices = #map1}, {transform_indices = #map1}, {transform_indices = #map1}, {transform_indices = #map1}, {transform_indices = #map}, {transform_indices = #map2}, {transform_indices = #map2}, {transform_indices = #map2}]} {
    %mul3A = arith.constant 16 : i32
    %mul3A_0 = arith.muli %arg0, %mul3A : i32
    %add3A = arith.addi %mul3A_0, %arg1 : i32
    %lt3A = arith.constant 10 : i32
    %lt3A_1 = arith.cmpi slt, %arg1, %lt3A : i32
    %convert_element_type3A = arith.extui %lt3A_1 : i1 to i32
    %cond3A = arith.constant 0 : i32
    %cond3A_2 = arith.cmpi ne, %convert_element_type3A, %cond3A : i32
    scf.if %cond3A_2 {
      %mul3A_56 = arith.constant 1000 : i32
      %mul3A_57 = arith.muli %arg1, %mul3A_56 : i32
      %mul3A_58 = arith.constant 1000 : i32
      %mul3A_59 = arith.muli %arg1, %mul3A_58 : i32
      "tpu.region"() ({
        %run_scoped3A = tpu.sem_alloc : memref<!tpu.dma_semaphore, #tpu.memory_space<semaphore_mem>>
        %dma_start3A = arith.constant 0 : i32
        %dma_start3A_60 = tpu.memref_slice %arg23[%mul3A_59, %dma_start3A] : memref<10000x32xf32, #tpu.memory_space<vmem_shared>> -> memref<1000x32xf32, #tpu.memory_space<vmem_shared>>
        %dma_start3A_61 = arith.constant 0 : i32
        %dma_start3A_62 = tpu.memref_slice %arg14[%mul3A_57, %dma_start3A_61] : memref<10000x32xf32, #tpu.memory_space<hbm>> -> memref<1000x32xf32, #tpu.memory_space<hbm>>
        tpu.enqueue_dma source(%dma_start3A_62 : memref<1000x32xf32, #tpu.memory_space<hbm>>) target(%dma_start3A_60 : memref<1000x32xf32, #tpu.memory_space<vmem_shared>>) target_semaphore(%run_scoped3A : memref<!tpu.dma_semaphore, #tpu.memory_space<semaphore_mem>>)
        %dma_wait3A = arith.constant 0 : i32
        %dma_wait3A_63 = tpu.memref_slice %arg23[%mul3A_59, %dma_wait3A] : memref<10000x32xf32, #tpu.memory_space<vmem_shared>> -> memref<1000x32xf32, #tpu.memory_space<vmem_shared>>
        %dma_wait3A_64 = arith.constant 0 : i32
        %dma_wait3A_65 = tpu.memref_slice %arg14[%mul3A_57, %dma_wait3A_64] : memref<10000x32xf32, #tpu.memory_space<hbm>> -> memref<1000x32xf32, #tpu.memory_space<hbm>>
        tpu.wait_dma2 semaphore(%run_scoped3A : memref<!tpu.dma_semaphore, #tpu.memory_space<semaphore_mem>>) src(%dma_wait3A_65 : memref<1000x32xf32, #tpu.memory_space<hbm>>) dst(%dma_wait3A_63 : memref<1000x32xf32, #tpu.memory_space<vmem_shared>>)
        tpu.yield
      }) : () -> ()
    } else {
    }
    %barrier3A = arith.constant 0 : index
    tpu.barrier barrier_id(%barrier3A)
    %scan3A = arith.constant 0 : i32
    %scan3A_3 = arith.constant 0 : i32
    %scan3A_4 = arith.constant 125 : i32
    %scan3A_5 = arith.addi %scan3A_3, %scan3A_4 : i32
    %scan3A_6 = arith.constant 1 : i32
    %scan3A_7 = scf.for %scan3A_56 = %scan3A_3 to %scan3A_5 step %scan3A_6 iter_args(%scan3A_57 = %scan3A) -> (i32)  : i32 {
      %mul3A_58 = arith.constant 125 : i32
      %mul3A_59 = arith.muli %add3A, %mul3A_58 : i32
      %add3A_60 = arith.addi %mul3A_59, %scan3A_56 : i32
      %mul3A_61 = arith.constant 80 : i32
      %mul3A_62 = arith.muli %add3A_60, %mul3A_61 : i32
      %multiple_of3A = tpu.assume_multiple %mul3A_62, 80 : i32
      "tpu.region"() ({
        %run_scoped3A = tpu.sem_alloc : memref<!tpu.dma_semaphore, #tpu.memory_space<semaphore_mem>>
        %dma_start3A_81 = tpu.memref_slice %arg8[%multiple_of3A] : memref<320000xi32, #tpu.memory_space<hbm>> -> memref<80xi32, #tpu.memory_space<hbm>>
        %dma_start3A_82 = tpu.memref_slice %arg8[%multiple_of3A] : memref<320000xi32, #tpu.memory_space<hbm>> -> memref<80xi32, #tpu.memory_space<hbm>>
        tpu.enqueue_dma source(%dma_start3A_82 : memref<80xi32, #tpu.memory_space<hbm>>) target(%arg18 : memref<80xi32, #tpu.memory_space<vmem>>) target_semaphore(%run_scoped3A : memref<!tpu.dma_semaphore, #tpu.memory_space<semaphore_mem>>)
        %dma_wait3A_83 = tpu.memref_slice %arg8[%multiple_of3A] : memref<320000xi32, #tpu.memory_space<hbm>> -> memref<80xi32, #tpu.memory_space<hbm>>
        %dma_wait3A_84 = tpu.memref_slice %arg8[%multiple_of3A] : memref<320000xi32, #tpu.memory_space<hbm>> -> memref<80xi32, #tpu.memory_space<hbm>>
        tpu.wait_dma2 semaphore(%run_scoped3A : memref<!tpu.dma_semaphore, #tpu.memory_space<semaphore_mem>>) src(%dma_wait3A_84 : memref<80xi32, #tpu.memory_space<hbm>>) dst(%arg18 : memref<80xi32, #tpu.memory_space<vmem>>)
        tpu.yield
      }) : () -> ()
      "tpu.region"() ({
        %run_scoped3A = tpu.sem_alloc : memref<!tpu.dma_semaphore, #tpu.memory_space<semaphore_mem>>
        %dma_start3A_81 = tpu.memref_slice %arg11[%multiple_of3A] : memref<320000xi32, #tpu.memory_space<hbm>> -> memref<80xi32, #tpu.memory_space<hbm>>
        %dma_start3A_82 = tpu.memref_slice %arg11[%multiple_of3A] : memref<320000xi32, #tpu.memory_space<hbm>> -> memref<80xi32, #tpu.memory_space<hbm>>
        tpu.enqueue_dma source(%dma_start3A_82 : memref<80xi32, #tpu.memory_space<hbm>>) target(%arg19 : memref<80xi32, #tpu.memory_space<vmem>>) target_semaphore(%run_scoped3A : memref<!tpu.dma_semaphore, #tpu.memory_space<semaphore_mem>>)
        %dma_wait3A_83 = tpu.memref_slice %arg11[%multiple_of3A] : memref<320000xi32, #tpu.memory_space<hbm>> -> memref<80xi32, #tpu.memory_space<hbm>>
        %dma_wait3A_84 = tpu.memref_slice %arg11[%multiple_of3A] : memref<320000xi32, #tpu.memory_space<hbm>> -> memref<80xi32, #tpu.memory_space<hbm>>
        tpu.wait_dma2 semaphore(%run_scoped3A : memref<!tpu.dma_semaphore, #tpu.memory_space<semaphore_mem>>) src(%dma_wait3A_84 : memref<80xi32, #tpu.memory_space<hbm>>) dst(%arg19 : memref<80xi32, #tpu.memory_space<vmem>>)
        tpu.yield
      }) : () -> ()
      %dma_start3A = arith.constant 0 : i32
      %dma_start3A_63 = arith.constant 0 : i32
      %dma_start3A_64 = tpu.memref_slice %arg2[%dma_start3A, %dma_start3A_63] : memref<10000x32xf32, #tpu.memory_space<hbm>> -> memref<10000x32xf32, #tpu.memory_space<hbm>>
      tpu.enqueue_indirect_dma source(%dma_start3A_64 : memref<10000x32xf32, #tpu.memory_space<hbm>>) target(%arg20 : memref<80x32xf32, #tpu.memory_space<vmem>>) offsets(%arg18 : memref<80xi32, #tpu.memory_space<vmem>>) semaphore(%arg24 : memref<!tpu.dma_semaphore, #tpu.memory_space<semaphore_mem>>)
      %dma_start3A_65 = arith.constant 0 : i32
      %dma_start3A_66 = arith.constant 0 : i32
      %dma_start3A_67 = tpu.memref_slice %arg5[%dma_start3A_65, %dma_start3A_66] : memref<10000x64xf32, #tpu.memory_space<hbm>> -> memref<10000x64xf32, #tpu.memory_space<hbm>>
      tpu.enqueue_indirect_dma source(%dma_start3A_67 : memref<10000x64xf32, #tpu.memory_space<hbm>>) target(%arg21 : memref<80x64xf32, #tpu.memory_space<vmem>>) offsets(%arg19 : memref<80xi32, #tpu.memory_space<vmem>>) semaphore(%arg25 : memref<!tpu.dma_semaphore, #tpu.memory_space<semaphore_mem>>)
      %dma_wait3A = arith.constant 0 : i32
      %dma_wait3A_68 = arith.constant 0 : i32
      %dma_wait3A_69 = tpu.memref_slice %arg2[%dma_wait3A, %dma_wait3A_68] : memref<10000x32xf32, #tpu.memory_space<hbm>> -> memref<10000x32xf32, #tpu.memory_space<hbm>>
      tpu.wait_indirect_dma semaphore(%arg24 : memref<!tpu.dma_semaphore, #tpu.memory_space<semaphore_mem>>) src(%dma_wait3A_69 : memref<10000x32xf32, #tpu.memory_space<hbm>>) dst(%arg20 : memref<80x32xf32, #tpu.memory_space<vmem>>)
      %dma_wait3A_70 = arith.constant 0 : i32
      %dma_wait3A_71 = arith.constant 0 : i32
      %dma_wait3A_72 = tpu.memref_slice %arg5[%dma_wait3A_70, %dma_wait3A_71] : memref<10000x64xf32, #tpu.memory_space<hbm>> -> memref<10000x64xf32, #tpu.memory_space<hbm>>
      tpu.wait_indirect_dma semaphore(%arg25 : memref<!tpu.dma_semaphore, #tpu.memory_space<semaphore_mem>>) src(%dma_wait3A_72 : memref<10000x64xf32, #tpu.memory_space<hbm>>) dst(%arg21 : memref<80x64xf32, #tpu.memory_space<vmem>>)
      %scan3A_73 = arith.constant 0 : i32
      %scan3A_74 = arith.constant 0 : i32
      %scan3A_75 = arith.constant 80 : i32
      %scan3A_76 = arith.addi %scan3A_74, %scan3A_75 : i32
      %scan3A_77 = arith.constant 1 : i32
      %scan3A_78 = scf.for %scan3A_81 = %scan3A_74 to %scan3A_76 step %scan3A_77 iter_args(%scan3A_82 = %scan3A_73) -> (i32)  : i32 {
        %get3A = arith.index_cast %scan3A_81 : i32 to index
        %get3A_83 = arith.constant 0 : index
        %get3A_84 = tpu.vector_load %arg20[%get3A, %get3A_83] {strides = array<i32>} : memref<80x32xf32, #tpu.memory_space<vmem>>, vector<16xf32>,
        %get3A_85 = arith.index_cast %scan3A_81 : i32 to index
        %get3A_86 = arith.constant 0 : index
        %get3A_87 = tpu.vector_load %arg21[%get3A_85, %get3A_86] {strides = array<i32>} : memref<80x64xf32, #tpu.memory_space<vmem>>, vector<16xf32>,
        %get3A_88 = arith.index_cast %scan3A_81 : i32 to index
        %get3A_89 = arith.constant 32 : index
        %get3A_90 = tpu.vector_load %arg21[%get3A_88, %get3A_89] {strides = array<i32>} : memref<80x64xf32, #tpu.memory_space<vmem>>, vector<16xf32>,
        %add3A_91 = arith.addf %get3A_84, %get3A_87 : vector<16xf32>
        %neg3A = arith.constant 0.000000e+00 : f32
        %neg3A_92 = vector.broadcast %neg3A : f32 to vector<16xf32>
        %neg3A_93 = arith.subf %neg3A_92, %add3A_91 : vector<16xf32>
        %exp3A = math.exp %neg3A_93 : vector<16xf32>
        %add3A_94 = arith.constant 1.000000e+00 : f32
        %add3A_95 = vector.broadcast %add3A_94 : f32 to vector<16xf32>
        %add3A_96 = arith.addf %add3A_95, %exp3A : vector<16xf32>
        %div3A = arith.constant 1.000000e+00 : f32
        %div3A_97 = vector.broadcast %div3A : f32 to vector<16xf32>
        %div3A_98 = arith.divf %div3A_97, %add3A_96 : vector<16xf32>
        %mul3A_99 = arith.mulf %div3A_98, %get3A_90 : vector<16xf32>
        %swap3A = arith.index_cast %scan3A_81 : i32 to index
        %swap3A_100 = arith.constant 0 : index
        %swap3A_101 = tpu.vector_load %arg22[%swap3A, %swap3A_100] {strides = array<i32>} : memref<80x32xf32, #tpu.memory_space<vmem>>, vector<16xf32>,
        tpu.vector_store %arg22[%swap3A, %swap3A_100], %mul3A_99 {strides = array<i32>} : memref<80x32xf32, #tpu.memory_space<vmem>>, vector<16xf32>,
        %get3A_102 = arith.index_cast %scan3A_81 : i32 to index
        %get3A_103 = arith.constant 16 : index
        %get3A_104 = tpu.vector_load %arg20[%get3A_102, %get3A_103] {strides = array<i32>} : memref<80x32xf32, #tpu.memory_space<vmem>>, vector<16xf32>,
        %get3A_105 = arith.index_cast %scan3A_81 : i32 to index
        %get3A_106 = arith.constant 16 : index
        %get3A_107 = tpu.vector_load %arg21[%get3A_105, %get3A_106] {strides = array<i32>} : memref<80x64xf32, #tpu.memory_space<vmem>>, vector<16xf32>,
        %get3A_108 = arith.index_cast %scan3A_81 : i32 to index
        %get3A_109 = arith.constant 48 : index
        %get3A_110 = tpu.vector_load %arg21[%get3A_108, %get3A_109] {strides = array<i32>} : memref<80x64xf32, #tpu.memory_space<vmem>>, vector<16xf32>,
        %add3A_111 = arith.addf %get3A_104, %get3A_107 : vector<16xf32>
        %neg3A_112 = arith.constant 0.000000e+00 : f32
        %neg3A_113 = vector.broadcast %neg3A_112 : f32 to vector<16xf32>
        %neg3A_114 = arith.subf %neg3A_113, %add3A_111 : vector<16xf32>
        %exp3A_115 = math.exp %neg3A_114 : vector<16xf32>
        %add3A_116 = arith.constant 1.000000e+00 : f32
        %add3A_117 = vector.broadcast %add3A_116 : f32 to vector<16xf32>
        %add3A_118 = arith.addf %add3A_117, %exp3A_115 : vector<16xf32>
        %div3A_119 = arith.constant 1.000000e+00 : f32
        %div3A_120 = vector.broadcast %div3A_119 : f32 to vector<16xf32>
        %div3A_121 = arith.divf %div3A_120, %add3A_118 : vector<16xf32>
        %mul3A_122 = arith.mulf %div3A_121, %get3A_110 : vector<16xf32>
        %swap3A_123 = arith.index_cast %scan3A_81 : i32 to index
        %swap3A_124 = arith.constant 16 : index
        %swap3A_125 = tpu.vector_load %arg22[%swap3A_123, %swap3A_124] {strides = array<i32>} : memref<80x32xf32, #tpu.memory_space<vmem>>, vector<16xf32>,
        tpu.vector_store %arg22[%swap3A_123, %swap3A_124], %mul3A_122 {strides = array<i32>} : memref<80x32xf32, #tpu.memory_space<vmem>>, vector<16xf32>,
        %scan3A_126 = arith.constant 0 : i32
        scf.yield %scan3A_126 : i32
      }
      %scan3A_79 = arith.constant 80 : i32
      "tpu.region"() ({
        %run_scoped3A = tpu.sem_alloc : memref<!tpu.dma_semaphore, #tpu.memory_space<semaphore_mem>>
        %dma_start3A_81 = arith.constant 0 : i32
        %dma_start3A_82 = arith.constant 0 : i32
        %dma_start3A_83 = tpu.memref_slice %arg23[%dma_start3A_81, %dma_start3A_82] : memref<10000x32xf32, #tpu.memory_space<vmem_shared>> -> memref<10000x32xf32, #tpu.memory_space<vmem_shared>>
        tpu.enqueue_indirect_dma source(%arg22 : memref<80x32xf32, #tpu.memory_space<vmem>>) target(%dma_start3A_83 : memref<10000x32xf32, #tpu.memory_space<vmem_shared>>) offsets(%arg18 : memref<80xi32, #tpu.memory_space<vmem>>) semaphore(%run_scoped3A : memref<!tpu.dma_semaphore, #tpu.memory_space<semaphore_mem>>) {add = true}
        %dma_wait3A_84 = arith.constant 0 : i32
        %dma_wait3A_85 = arith.constant 0 : i32
        %dma_wait3A_86 = tpu.memref_slice %arg23[%dma_wait3A_84, %dma_wait3A_85] : memref<10000x32xf32, #tpu.memory_space<vmem_shared>> -> memref<10000x32xf32, #tpu.memory_space<vmem_shared>>
        tpu.wait_indirect_dma semaphore(%run_scoped3A : memref<!tpu.dma_semaphore, #tpu.memory_space<semaphore_mem>>) src(%arg22 : memref<80x32xf32, #tpu.memory_space<vmem>>) dst(%dma_wait3A_86 : memref<10000x32xf32, #tpu.memory_space<vmem_shared>>)
        tpu.yield
      }) : () -> ()
      %scan3A_80 = arith.constant 0 : i32
      scf.yield %scan3A_80 : i32
    }
    %scan3A_8 = arith.constant 125 : i32
    %barrier3A_9 = arith.constant 0 : index
    tpu.barrier barrier_id(%barrier3A_9)
    %lt3A_10 = arith.constant 10 : i32
    %lt3A_11 = arith.cmpi slt, %arg1, %lt3A_10 : i32
    %convert_element_type3A_12 = arith.extui %lt3A_11 : i1 to i32
    %cond3A_13 = arith.constant 0 : i32
    %cond3A_14 = arith.cmpi ne, %convert_element_type3A_12, %cond3A_13 : i32
    scf.if %cond3A_14 {
      %mul3A_56 = arith.constant 1000 : i32
      %mul3A_57 = arith.muli %arg1, %mul3A_56 : i32
      %mul3A_58 = arith.constant 1000 : i32
      %mul3A_59 = arith.muli %arg1, %mul3A_58 : i32
      "tpu.region"() ({
        %run_scoped3A = tpu.sem_alloc : memref<!tpu.dma_semaphore, #tpu.memory_space<semaphore_mem>>
        %dma_start3A = arith.constant 0 : i32
        %dma_start3A_60 = tpu.memref_slice %arg15[%arg0, %mul3A_59, %dma_start3A] : memref<2x10000x32xf32, #tpu.memory_space<hbm>> -> memref<1x1000x32xf32, #tpu.memory_space<hbm>>
        %dma_start3A_61 = tpu.memref_squeeze %dma_start3A_60 : memref<1x1000x32xf32, #tpu.memory_space<hbm>> -> memref<1000x32xf32, #tpu.memory_space<hbm>>
        %dma_start3A_62 = arith.constant 0 : i32
        %dma_start3A_63 = tpu.memref_slice %arg23[%mul3A_57, %dma_start3A_62] : memref<10000x32xf32, #tpu.memory_space<vmem_shared>> -> memref<1000x32xf32, #tpu.memory_space<vmem_shared>>
        tpu.enqueue_dma source(%dma_start3A_63 : memref<1000x32xf32, #tpu.memory_space<vmem_shared>>) target(%dma_start3A_61 : memref<1000x32xf32, #tpu.memory_space<hbm>>) target_semaphore(%run_scoped3A : memref<!tpu.dma_semaphore, #tpu.memory_space<semaphore_mem>>)
        %dma_wait3A = arith.constant 0 : i32
        %dma_wait3A_64 = tpu.memref_slice %arg15[%arg0, %mul3A_59, %dma_wait3A] : memref<2x10000x32xf32, #tpu.memory_space<hbm>> -> memref<1x1000x32xf32, #tpu.memory_space<hbm>>
        %dma_wait3A_65 = tpu.memref_squeeze %dma_wait3A_64 : memref<1x1000x32xf32, #tpu.memory_space<hbm>> -> memref<1000x32xf32, #tpu.memory_space<hbm>>
        %dma_wait3A_66 = arith.constant 0 : i32
        %dma_wait3A_67 = tpu.memref_slice %arg23[%mul3A_57, %dma_wait3A_66] : memref<10000x32xf32, #tpu.memory_space<vmem_shared>> -> memref<1000x32xf32, #tpu.memory_space<vmem_shared>>
        tpu.wait_dma2 semaphore(%run_scoped3A : memref<!tpu.dma_semaphore, #tpu.memory_space<semaphore_mem>>) src(%dma_wait3A_67 : memref<1000x32xf32, #tpu.memory_space<vmem_shared>>) dst(%dma_wait3A_65 : memref<1000x32xf32, #tpu.memory_space<hbm>>)
        tpu.yield
      }) : () -> ()
    } else {
    }
    %barrier3A_15 = arith.constant 0 : index
    tpu.barrier barrier_id(%barrier3A_15)
    %lt3A_16 = arith.constant 10 : i32
    %lt3A_17 = arith.cmpi slt, %arg1, %lt3A_16 : i32
    %convert_element_type3A_18 = arith.extui %lt3A_17 : i1 to i32
    %cond3A_19 = arith.constant 0 : i32
    %cond3A_20 = arith.cmpi ne, %convert_element_type3A_18, %cond3A_19 : i32
    scf.if %cond3A_20 {
      %mul3A_56 = arith.constant 1000 : i32
      %mul3A_57 = arith.muli %arg1, %mul3A_56 : i32
      %mul3A_58 = arith.constant 1000 : i32
      %mul3A_59 = arith.muli %arg1, %mul3A_58 : i32
      "tpu.region"() ({
        %run_scoped3A = tpu.sem_alloc : memref<!tpu.dma_semaphore, #tpu.memory_space<semaphore_mem>>
        %dma_start3A = arith.constant 0 : i32
        %dma_start3A_60 = tpu.memref_slice %arg23[%mul3A_59, %dma_start3A] : memref<10000x32xf32, #tpu.memory_space<vmem_shared>> -> memref<1000x32xf32, #tpu.memory_space<vmem_shared>>
        %dma_start3A_61 = arith.constant 0 : i32
        %dma_start3A_62 = tpu.memref_slice %arg14[%mul3A_57, %dma_start3A_61] : memref<10000x32xf32, #tpu.memory_space<hbm>> -> memref<1000x32xf32, #tpu.memory_space<hbm>>
        tpu.enqueue_dma source(%dma_start3A_62 : memref<1000x32xf32, #tpu.memory_space<hbm>>) target(%dma_start3A_60 : memref<1000x32xf32, #tpu.memory_space<vmem_shared>>) target_semaphore(%run_scoped3A : memref<!tpu.dma_semaphore, #tpu.memory_space<semaphore_mem>>)
        %dma_wait3A = arith.constant 0 : i32
        %dma_wait3A_63 = tpu.memref_slice %arg23[%mul3A_59, %dma_wait3A] : memref<10000x32xf32, #tpu.memory_space<vmem_shared>> -> memref<1000x32xf32, #tpu.memory_space<vmem_shared>>
        %dma_wait3A_64 = arith.constant 0 : i32
        %dma_wait3A_65 = tpu.memref_slice %arg14[%mul3A_57, %dma_wait3A_64] : memref<10000x32xf32, #tpu.memory_space<hbm>> -> memref<1000x32xf32, #tpu.memory_space<hbm>>
        tpu.wait_dma2 semaphore(%run_scoped3A : memref<!tpu.dma_semaphore, #tpu.memory_space<semaphore_mem>>) src(%dma_wait3A_65 : memref<1000x32xf32, #tpu.memory_space<hbm>>) dst(%dma_wait3A_63 : memref<1000x32xf32, #tpu.memory_space<vmem_shared>>)
        tpu.yield
      }) : () -> ()
    } else {
    }
    %barrier3A_21 = arith.constant 0 : index
    tpu.barrier barrier_id(%barrier3A_21)
    %scan3A_22 = arith.constant 0 : i32
    %scan3A_23 = arith.constant 0 : i32
    %scan3A_24 = arith.constant 125 : i32
    %scan3A_25 = arith.addi %scan3A_23, %scan3A_24 : i32
    %scan3A_26 = arith.constant 1 : i32
    %scan3A_27 = scf.for %scan3A_56 = %scan3A_23 to %scan3A_25 step %scan3A_26 iter_args(%scan3A_57 = %scan3A_22) -> (i32)  : i32 {
      %mul3A_58 = arith.constant 125 : i32
      %mul3A_59 = arith.muli %add3A, %mul3A_58 : i32
      %add3A_60 = arith.addi %mul3A_59, %scan3A_56 : i32
      %mul3A_61 = arith.constant 80 : i32
      %mul3A_62 = arith.muli %add3A_60, %mul3A_61 : i32
      %multiple_of3A = tpu.assume_multiple %mul3A_62, 80 : i32
      "tpu.region"() ({
        %run_scoped3A = tpu.sem_alloc : memref<!tpu.dma_semaphore, #tpu.memory_space<semaphore_mem>>
        %dma_start3A_81 = tpu.memref_slice %arg9[%multiple_of3A] : memref<128xi32, #tpu.memory_space<hbm>> -> memref<80xi32, #tpu.memory_space<hbm>>
        %dma_start3A_82 = tpu.memref_slice %arg9[%multiple_of3A] : memref<128xi32, #tpu.memory_space<hbm>> -> memref<80xi32, #tpu.memory_space<hbm>>
        tpu.enqueue_dma source(%dma_start3A_82 : memref<80xi32, #tpu.memory_space<hbm>>) target(%arg18 : memref<80xi32, #tpu.memory_space<vmem>>) target_semaphore(%run_scoped3A : memref<!tpu.dma_semaphore, #tpu.memory_space<semaphore_mem>>)
        %dma_wait3A_83 = tpu.memref_slice %arg9[%multiple_of3A] : memref<128xi32, #tpu.memory_space<hbm>> -> memref<80xi32, #tpu.memory_space<hbm>>
        %dma_wait3A_84 = tpu.memref_slice %arg9[%multiple_of3A] : memref<128xi32, #tpu.memory_space<hbm>> -> memref<80xi32, #tpu.memory_space<hbm>>
        tpu.wait_dma2 semaphore(%run_scoped3A : memref<!tpu.dma_semaphore, #tpu.memory_space<semaphore_mem>>) src(%dma_wait3A_84 : memref<80xi32, #tpu.memory_space<hbm>>) dst(%arg18 : memref<80xi32, #tpu.memory_space<vmem>>)
        tpu.yield
      }) : () -> ()
      "tpu.region"() ({
        %run_scoped3A = tpu.sem_alloc : memref<!tpu.dma_semaphore, #tpu.memory_space<semaphore_mem>>
        %dma_start3A_81 = tpu.memref_slice %arg12[%multiple_of3A] : memref<128xi32, #tpu.memory_space<hbm>> -> memref<80xi32, #tpu.memory_space<hbm>>
        %dma_start3A_82 = tpu.memref_slice %arg12[%multiple_of3A] : memref<128xi32, #tpu.memory_space<hbm>> -> memref<80xi32, #tpu.memory_space<hbm>>
        tpu.enqueue_dma source(%dma_start3A_82 : memref<80xi32, #tpu.memory_space<hbm>>) target(%arg19 : memref<80xi32, #tpu.memory_space<vmem>>) target_semaphore(%run_scoped3A : memref<!tpu.dma_semaphore, #tpu.memory_space<semaphore_mem>>)
        %dma_wait3A_83 = tpu.memref_slice %arg12[%multiple_of3A] : memref<128xi32, #tpu.memory_space<hbm>> -> memref<80xi32, #tpu.memory_space<hbm>>
        %dma_wait3A_84 = tpu.memref_slice %arg12[%multiple_of3A] : memref<128xi32, #tpu.memory_space<hbm>> -> memref<80xi32, #tpu.memory_space<hbm>>
        tpu.wait_dma2 semaphore(%run_scoped3A : memref<!tpu.dma_semaphore, #tpu.memory_space<semaphore_mem>>) src(%dma_wait3A_84 : memref<80xi32, #tpu.memory_space<hbm>>) dst(%arg19 : memref<80xi32, #tpu.memory_space<vmem>>)
        tpu.yield
      }) : () -> ()
      %dma_start3A = arith.constant 0 : i32
      %dma_start3A_63 = arith.constant 0 : i32
      %dma_start3A_64 = tpu.memref_slice %arg3[%dma_start3A, %dma_start3A_63] : memref<10000x32xf32, #tpu.memory_space<hbm>> -> memref<10000x32xf32, #tpu.memory_space<hbm>>
      tpu.enqueue_indirect_dma source(%dma_start3A_64 : memref<10000x32xf32, #tpu.memory_space<hbm>>) target(%arg20 : memref<80x32xf32, #tpu.memory_space<vmem>>) offsets(%arg18 : memref<80xi32, #tpu.memory_space<vmem>>) semaphore(%arg24 : memref<!tpu.dma_semaphore, #tpu.memory_space<semaphore_mem>>)
      %dma_start3A_65 = arith.constant 0 : i32
      %dma_start3A_66 = arith.constant 0 : i32
      %dma_start3A_67 = tpu.memref_slice %arg6[%dma_start3A_65, %dma_start3A_66] : memref<10000x64xf32, #tpu.memory_space<hbm>> -> memref<10000x64xf32, #tpu.memory_space<hbm>>
      tpu.enqueue_indirect_dma source(%dma_start3A_67 : memref<10000x64xf32, #tpu.memory_space<hbm>>) target(%arg21 : memref<80x64xf32, #tpu.memory_space<vmem>>) offsets(%arg19 : memref<80xi32, #tpu.memory_space<vmem>>) semaphore(%arg25 : memref<!tpu.dma_semaphore, #tpu.memory_space<semaphore_mem>>)
      %dma_wait3A = arith.constant 0 : i32
      %dma_wait3A_68 = arith.constant 0 : i32
      %dma_wait3A_69 = tpu.memref_slice %arg3[%dma_wait3A, %dma_wait3A_68] : memref<10000x32xf32, #tpu.memory_space<hbm>> -> memref<10000x32xf32, #tpu.memory_space<hbm>>
      tpu.wait_indirect_dma semaphore(%arg24 : memref<!tpu.dma_semaphore, #tpu.memory_space<semaphore_mem>>) src(%dma_wait3A_69 : memref<10000x32xf32, #tpu.memory_space<hbm>>) dst(%arg20 : memref<80x32xf32, #tpu.memory_space<vmem>>)
      %dma_wait3A_70 = arith.constant 0 : i32
      %dma_wait3A_71 = arith.constant 0 : i32
      %dma_wait3A_72 = tpu.memref_slice %arg6[%dma_wait3A_70, %dma_wait3A_71] : memref<10000x64xf32, #tpu.memory_space<hbm>> -> memref<10000x64xf32, #tpu.memory_space<hbm>>
      tpu.wait_indirect_dma semaphore(%arg25 : memref<!tpu.dma_semaphore, #tpu.memory_space<semaphore_mem>>) src(%dma_wait3A_72 : memref<10000x64xf32, #tpu.memory_space<hbm>>) dst(%arg21 : memref<80x64xf32, #tpu.memory_space<vmem>>)
      %scan3A_73 = arith.constant 0 : i32
      %scan3A_74 = arith.constant 0 : i32
      %scan3A_75 = arith.constant 80 : i32
      %scan3A_76 = arith.addi %scan3A_74, %scan3A_75 : i32
      %scan3A_77 = arith.constant 1 : i32
      %scan3A_78 = scf.for %scan3A_81 = %scan3A_74 to %scan3A_76 step %scan3A_77 iter_args(%scan3A_82 = %scan3A_73) -> (i32)  : i32 {
        %get3A = arith.index_cast %scan3A_81 : i32 to index
        %get3A_83 = arith.constant 0 : index
        %get3A_84 = tpu.vector_load %arg20[%get3A, %get3A_83] {strides = array<i32>} : memref<80x32xf32, #tpu.memory_space<vmem>>, vector<16xf32>,
        %get3A_85 = arith.index_cast %scan3A_81 : i32 to index
        %get3A_86 = arith.constant 0 : index
        %get3A_87 = tpu.vector_load %arg21[%get3A_85, %get3A_86] {strides = array<i32>} : memref<80x64xf32, #tpu.memory_space<vmem>>, vector<16xf32>,
        %get3A_88 = arith.index_cast %scan3A_81 : i32 to index
        %get3A_89 = arith.constant 32 : index
        %get3A_90 = tpu.vector_load %arg21[%get3A_88, %get3A_89] {strides = array<i32>} : memref<80x64xf32, #tpu.memory_space<vmem>>, vector<16xf32>,
        %add3A_91 = arith.addf %get3A_84, %get3A_87 : vector<16xf32>
        %neg3A = arith.constant 0.000000e+00 : f32
        %neg3A_92 = vector.broadcast %neg3A : f32 to vector<16xf32>
        %neg3A_93 = arith.subf %neg3A_92, %add3A_91 : vector<16xf32>
        %exp3A = math.exp %neg3A_93 : vector<16xf32>
        %add3A_94 = arith.constant 1.000000e+00 : f32
        %add3A_95 = vector.broadcast %add3A_94 : f32 to vector<16xf32>
        %add3A_96 = arith.addf %add3A_95, %exp3A : vector<16xf32>
        %div3A = arith.constant 1.000000e+00 : f32
        %div3A_97 = vector.broadcast %div3A : f32 to vector<16xf32>
        %div3A_98 = arith.divf %div3A_97, %add3A_96 : vector<16xf32>
        %mul3A_99 = arith.mulf %div3A_98, %get3A_90 : vector<16xf32>
        %swap3A = arith.index_cast %scan3A_81 : i32 to index
        %swap3A_100 = arith.constant 0 : index
        %swap3A_101 = tpu.vector_load %arg22[%swap3A, %swap3A_100] {strides = array<i32>} : memref<80x32xf32, #tpu.memory_space<vmem>>, vector<16xf32>,
        tpu.vector_store %arg22[%swap3A, %swap3A_100], %mul3A_99 {strides = array<i32>} : memref<80x32xf32, #tpu.memory_space<vmem>>, vector<16xf32>,
        %get3A_102 = arith.index_cast %scan3A_81 : i32 to index
        %get3A_103 = arith.constant 16 : index
        %get3A_104 = tpu.vector_load %arg20[%get3A_102, %get3A_103] {strides = array<i32>} : memref<80x32xf32, #tpu.memory_space<vmem>>, vector<16xf32>,
        %get3A_105 = arith.index_cast %scan3A_81 : i32 to index
        %get3A_106 = arith.constant 16 : index
        %get3A_107 = tpu.vector_load %arg21[%get3A_105, %get3A_106] {strides = array<i32>} : memref<80x64xf32, #tpu.memory_space<vmem>>, vector<16xf32>,
        %get3A_108 = arith.index_cast %scan3A_81 : i32 to index
        %get3A_109 = arith.constant 48 : index
        %get3A_110 = tpu.vector_load %arg21[%get3A_108, %get3A_109] {strides = array<i32>} : memref<80x64xf32, #tpu.memory_space<vmem>>, vector<16xf32>,
        %add3A_111 = arith.addf %get3A_104, %get3A_107 : vector<16xf32>
        %neg3A_112 = arith.constant 0.000000e+00 : f32
        %neg3A_113 = vector.broadcast %neg3A_112 : f32 to vector<16xf32>
        %neg3A_114 = arith.subf %neg3A_113, %add3A_111 : vector<16xf32>
        %exp3A_115 = math.exp %neg3A_114 : vector<16xf32>
        %add3A_116 = arith.constant 1.000000e+00 : f32
        %add3A_117 = vector.broadcast %add3A_116 : f32 to vector<16xf32>
        %add3A_118 = arith.addf %add3A_117, %exp3A_115 : vector<16xf32>
        %div3A_119 = arith.constant 1.000000e+00 : f32
        %div3A_120 = vector.broadcast %div3A_119 : f32 to vector<16xf32>
        %div3A_121 = arith.divf %div3A_120, %add3A_118 : vector<16xf32>
        %mul3A_122 = arith.mulf %div3A_121, %get3A_110 : vector<16xf32>
        %swap3A_123 = arith.index_cast %scan3A_81 : i32 to index
        %swap3A_124 = arith.constant 16 : index
        %swap3A_125 = tpu.vector_load %arg22[%swap3A_123, %swap3A_124] {strides = array<i32>} : memref<80x32xf32, #tpu.memory_space<vmem>>, vector<16xf32>,
        tpu.vector_store %arg22[%swap3A_123, %swap3A_124], %mul3A_122 {strides = array<i32>} : memref<80x32xf32, #tpu.memory_space<vmem>>, vector<16xf32>,
        %scan3A_126 = arith.constant 0 : i32
        scf.yield %scan3A_126 : i32
      }
      %scan3A_79 = arith.constant 80 : i32
      "tpu.region"() ({
        %run_scoped3A = tpu.sem_alloc : memref<!tpu.dma_semaphore, #tpu.memory_space<semaphore_mem>>
        %dma_start3A_81 = arith.constant 0 : i32
        %dma_start3A_82 = arith.constant 0 : i32
        %dma_start3A_83 = tpu.memref_slice %arg23[%dma_start3A_81, %dma_start3A_82] : memref<10000x32xf32, #tpu.memory_space<vmem_shared>> -> memref<10000x32xf32, #tpu.memory_space<vmem_shared>>
        tpu.enqueue_indirect_dma source(%arg22 : memref<80x32xf32, #tpu.memory_space<vmem>>) target(%dma_start3A_83 : memref<10000x32xf32, #tpu.memory_space<vmem_shared>>) offsets(%arg18 : memref<80xi32, #tpu.memory_space<vmem>>) semaphore(%run_scoped3A : memref<!tpu.dma_semaphore, #tpu.memory_space<semaphore_mem>>) {add = true}
        %dma_wait3A_84 = arith.constant 0 : i32
        %dma_wait3A_85 = arith.constant 0 : i32
        %dma_wait3A_86 = tpu.memref_slice %arg23[%dma_wait3A_84, %dma_wait3A_85] : memref<10000x32xf32, #tpu.memory_space<vmem_shared>> -> memref<10000x32xf32, #tpu.memory_space<vmem_shared>>
        tpu.wait_indirect_dma semaphore(%run_scoped3A : memref<!tpu.dma_semaphore, #tpu.memory_space<semaphore_mem>>) src(%arg22 : memref<80x32xf32, #tpu.memory_space<vmem>>) dst(%dma_wait3A_86 : memref<10000x32xf32, #tpu.memory_space<vmem_shared>>)
        tpu.yield
      }) : () -> ()
      %scan3A_80 = arith.constant 0 : i32
      scf.yield %scan3A_80 : i32
    }
    %scan3A_28 = arith.constant 125 : i32
    %barrier3A_29 = arith.constant 0 : index
    tpu.barrier barrier_id(%barrier3A_29)
    %lt3A_30 = arith.constant 10 : i32
    %lt3A_31 = arith.cmpi slt, %arg1, %lt3A_30 : i32
    %convert_element_type3A_32 = arith.extui %lt3A_31 : i1 to i32
    %cond3A_33 = arith.constant 0 : i32
    %cond3A_34 = arith.cmpi ne, %convert_element_type3A_32, %cond3A_33 : i32
    scf.if %cond3A_34 {
      %mul3A_56 = arith.constant 1000 : i32
      %mul3A_57 = arith.muli %arg1, %mul3A_56 : i32
      %mul3A_58 = arith.constant 1000 : i32
      %mul3A_59 = arith.muli %arg1, %mul3A_58 : i32
      "tpu.region"() ({
        %run_scoped3A = tpu.sem_alloc : memref<!tpu.dma_semaphore, #tpu.memory_space<semaphore_mem>>
        %dma_start3A = arith.constant 0 : i32
        %dma_start3A_60 = tpu.memref_slice %arg16[%arg0, %mul3A_59, %dma_start3A] : memref<2x10000x32xf32, #tpu.memory_space<hbm>> -> memref<1x1000x32xf32, #tpu.memory_space<hbm>>
        %dma_start3A_61 = tpu.memref_squeeze %dma_start3A_60 : memref<1x1000x32xf32, #tpu.memory_space<hbm>> -> memref<1000x32xf32, #tpu.memory_space<hbm>>
        %dma_start3A_62 = arith.constant 0 : i32
        %dma_start3A_63 = tpu.memref_slice %arg23[%mul3A_57, %dma_start3A_62] : memref<10000x32xf32, #tpu.memory_space<vmem_shared>> -> memref<1000x32xf32, #tpu.memory_space<vmem_shared>>
        tpu.enqueue_dma source(%dma_start3A_63 : memref<1000x32xf32, #tpu.memory_space<vmem_shared>>) target(%dma_start3A_61 : memref<1000x32xf32, #tpu.memory_space<hbm>>) target_semaphore(%run_scoped3A : memref<!tpu.dma_semaphore, #tpu.memory_space<semaphore_mem>>)
        %dma_wait3A = arith.constant 0 : i32
        %dma_wait3A_64 = tpu.memref_slice %arg16[%arg0, %mul3A_59, %dma_wait3A] : memref<2x10000x32xf32, #tpu.memory_space<hbm>> -> memref<1x1000x32xf32, #tpu.memory_space<hbm>>
        %dma_wait3A_65 = tpu.memref_squeeze %dma_wait3A_64 : memref<1x1000x32xf32, #tpu.memory_space<hbm>> -> memref<1000x32xf32, #tpu.memory_space<hbm>>
        %dma_wait3A_66 = arith.constant 0 : i32
        %dma_wait3A_67 = tpu.memref_slice %arg23[%mul3A_57, %dma_wait3A_66] : memref<10000x32xf32, #tpu.memory_space<vmem_shared>> -> memref<1000x32xf32, #tpu.memory_space<vmem_shared>>
        tpu.wait_dma2 semaphore(%run_scoped3A : memref<!tpu.dma_semaphore, #tpu.memory_space<semaphore_mem>>) src(%dma_wait3A_67 : memref<1000x32xf32, #tpu.memory_space<vmem_shared>>) dst(%dma_wait3A_65 : memref<1000x32xf32, #tpu.memory_space<hbm>>)
        tpu.yield
      }) : () -> ()
    } else {
    }
    %barrier3A_35 = arith.constant 0 : index
    tpu.barrier barrier_id(%barrier3A_35)
    %lt3A_36 = arith.constant 10 : i32
    %lt3A_37 = arith.cmpi slt, %arg1, %lt3A_36 : i32
    %convert_element_type3A_38 = arith.extui %lt3A_37 : i1 to i32
    %cond3A_39 = arith.constant 0 : i32
    %cond3A_40 = arith.cmpi ne, %convert_element_type3A_38, %cond3A_39 : i32
    scf.if %cond3A_40 {
      %mul3A_56 = arith.constant 1000 : i32
      %mul3A_57 = arith.muli %arg1, %mul3A_56 : i32
      %mul3A_58 = arith.constant 1000 : i32
      %mul3A_59 = arith.muli %arg1, %mul3A_58 : i32
      "tpu.region"() ({
        %run_scoped3A = tpu.sem_alloc : memref<!tpu.dma_semaphore, #tpu.memory_space<semaphore_mem>>
        %dma_start3A = arith.constant 0 : i32
        %dma_start3A_60 = tpu.memref_slice %arg23[%mul3A_59, %dma_start3A] : memref<10000x32xf32, #tpu.memory_space<vmem_shared>> -> memref<1000x32xf32, #tpu.memory_space<vmem_shared>>
        %dma_start3A_61 = arith.constant 0 : i32
        %dma_start3A_62 = tpu.memref_slice %arg14[%mul3A_57, %dma_start3A_61] : memref<10000x32xf32, #tpu.memory_space<hbm>> -> memref<1000x32xf32, #tpu.memory_space<hbm>>
        tpu.enqueue_dma source(%dma_start3A_62 : memref<1000x32xf32, #tpu.memory_space<hbm>>) target(%dma_start3A_60 : memref<1000x32xf32, #tpu.memory_space<vmem_shared>>) target_semaphore(%run_scoped3A : memref<!tpu.dma_semaphore, #tpu.memory_space<semaphore_mem>>)
        %dma_wait3A = arith.constant 0 : i32
        %dma_wait3A_63 = tpu.memref_slice %arg23[%mul3A_59, %dma_wait3A] : memref<10000x32xf32, #tpu.memory_space<vmem_shared>> -> memref<1000x32xf32, #tpu.memory_space<vmem_shared>>
        %dma_wait3A_64 = arith.constant 0 : i32
        %dma_wait3A_65 = tpu.memref_slice %arg14[%mul3A_57, %dma_wait3A_64] : memref<10000x32xf32, #tpu.memory_space<hbm>> -> memref<1000x32xf32, #tpu.memory_space<hbm>>
        tpu.wait_dma2 semaphore(%run_scoped3A : memref<!tpu.dma_semaphore, #tpu.memory_space<semaphore_mem>>) src(%dma_wait3A_65 : memref<1000x32xf32, #tpu.memory_space<hbm>>) dst(%dma_wait3A_63 : memref<1000x32xf32, #tpu.memory_space<vmem_shared>>)
        tpu.yield
      }) : () -> ()
    } else {
    }
    %barrier3A_41 = arith.constant 0 : index
    tpu.barrier barrier_id(%barrier3A_41)
    %scan3A_42 = arith.constant 0 : i32
    %scan3A_43 = arith.constant 0 : i32
    %scan3A_44 = arith.constant 125 : i32
    %scan3A_45 = arith.addi %scan3A_43, %scan3A_44 : i32
    %scan3A_46 = arith.constant 1 : i32
    %scan3A_47 = scf.for %scan3A_56 = %scan3A_43 to %scan3A_45 step %scan3A_46 iter_args(%scan3A_57 = %scan3A_42) -> (i32)  : i32 {
      %mul3A_58 = arith.constant 125 : i32
      %mul3A_59 = arith.muli %add3A, %mul3A_58 : i32
      %add3A_60 = arith.addi %mul3A_59, %scan3A_56 : i32
      %mul3A_61 = arith.constant 80 : i32
      %mul3A_62 = arith.muli %add3A_60, %mul3A_61 : i32
      %multiple_of3A = tpu.assume_multiple %mul3A_62, 80 : i32
      "tpu.region"() ({
        %run_scoped3A = tpu.sem_alloc : memref<!tpu.dma_semaphore, #tpu.memory_space<semaphore_mem>>
        %dma_start3A_81 = tpu.memref_slice %arg10[%multiple_of3A] : memref<320000xi32, #tpu.memory_space<hbm>> -> memref<80xi32, #tpu.memory_space<hbm>>
        %dma_start3A_82 = tpu.memref_slice %arg10[%multiple_of3A] : memref<320000xi32, #tpu.memory_space<hbm>> -> memref<80xi32, #tpu.memory_space<hbm>>
        tpu.enqueue_dma source(%dma_start3A_82 : memref<80xi32, #tpu.memory_space<hbm>>) target(%arg18 : memref<80xi32, #tpu.memory_space<vmem>>) target_semaphore(%run_scoped3A : memref<!tpu.dma_semaphore, #tpu.memory_space<semaphore_mem>>)
        %dma_wait3A_83 = tpu.memref_slice %arg10[%multiple_of3A] : memref<320000xi32, #tpu.memory_space<hbm>> -> memref<80xi32, #tpu.memory_space<hbm>>
        %dma_wait3A_84 = tpu.memref_slice %arg10[%multiple_of3A] : memref<320000xi32, #tpu.memory_space<hbm>> -> memref<80xi32, #tpu.memory_space<hbm>>
        tpu.wait_dma2 semaphore(%run_scoped3A : memref<!tpu.dma_semaphore, #tpu.memory_space<semaphore_mem>>) src(%dma_wait3A_84 : memref<80xi32, #tpu.memory_space<hbm>>) dst(%arg18 : memref<80xi32, #tpu.memory_space<vmem>>)
        tpu.yield
      }) : () -> ()
      "tpu.region"() ({
        %run_scoped3A = tpu.sem_alloc : memref<!tpu.dma_semaphore, #tpu.memory_space<semaphore_mem>>
        %dma_start3A_81 = tpu.memref_slice %arg13[%multiple_of3A] : memref<320000xi32, #tpu.memory_space<hbm>> -> memref<80xi32, #tpu.memory_space<hbm>>
        %dma_start3A_82 = tpu.memref_slice %arg13[%multiple_of3A] : memref<320000xi32, #tpu.memory_space<hbm>> -> memref<80xi32, #tpu.memory_space<hbm>>
        tpu.enqueue_dma source(%dma_start3A_82 : memref<80xi32, #tpu.memory_space<hbm>>) target(%arg19 : memref<80xi32, #tpu.memory_space<vmem>>) target_semaphore(%run_scoped3A : memref<!tpu.dma_semaphore, #tpu.memory_space<semaphore_mem>>)
        %dma_wait3A_83 = tpu.memref_slice %arg13[%multiple_of3A] : memref<320000xi32, #tpu.memory_space<hbm>> -> memref<80xi32, #tpu.memory_space<hbm>>
        %dma_wait3A_84 = tpu.memref_slice %arg13[%multiple_of3A] : memref<320000xi32, #tpu.memory_space<hbm>> -> memref<80xi32, #tpu.memory_space<hbm>>
        tpu.wait_dma2 semaphore(%run_scoped3A : memref<!tpu.dma_semaphore, #tpu.memory_space<semaphore_mem>>) src(%dma_wait3A_84 : memref<80xi32, #tpu.memory_space<hbm>>) dst(%arg19 : memref<80xi32, #tpu.memory_space<vmem>>)
        tpu.yield
      }) : () -> ()
      %dma_start3A = arith.constant 0 : i32
      %dma_start3A_63 = arith.constant 0 : i32
      %dma_start3A_64 = tpu.memref_slice %arg4[%dma_start3A, %dma_start3A_63] : memref<10000x32xf32, #tpu.memory_space<hbm>> -> memref<10000x32xf32, #tpu.memory_space<hbm>>
      tpu.enqueue_indirect_dma source(%dma_start3A_64 : memref<10000x32xf32, #tpu.memory_space<hbm>>) target(%arg20 : memref<80x32xf32, #tpu.memory_space<vmem>>) offsets(%arg18 : memref<80xi32, #tpu.memory_space<vmem>>) semaphore(%arg24 : memref<!tpu.dma_semaphore, #tpu.memory_space<semaphore_mem>>)
      %dma_start3A_65 = arith.constant 0 : i32
      %dma_start3A_66 = arith.constant 0 : i32
      %dma_start3A_67 = tpu.memref_slice %arg7[%dma_start3A_65, %dma_start3A_66] : memref<10000x64xf32, #tpu.memory_space<hbm>> -> memref<10000x64xf32, #tpu.memory_space<hbm>>
      tpu.enqueue_indirect_dma source(%dma_start3A_67 : memref<10000x64xf32, #tpu.memory_space<hbm>>) target(%arg21 : memref<80x64xf32, #tpu.memory_space<vmem>>) offsets(%arg19 : memref<80xi32, #tpu.memory_space<vmem>>) semaphore(%arg25 : memref<!tpu.dma_semaphore, #tpu.memory_space<semaphore_mem>>)
      %dma_wait3A = arith.constant 0 : i32
      %dma_wait3A_68 = arith.constant 0 : i32
      %dma_wait3A_69 = tpu.memref_slice %arg4[%dma_wait3A, %dma_wait3A_68] : memref<10000x32xf32, #tpu.memory_space<hbm>> -> memref<10000x32xf32, #tpu.memory_space<hbm>>
      tpu.wait_indirect_dma semaphore(%arg24 : memref<!tpu.dma_semaphore, #tpu.memory_space<semaphore_mem>>) src(%dma_wait3A_69 : memref<10000x32xf32, #tpu.memory_space<hbm>>) dst(%arg20 : memref<80x32xf32, #tpu.memory_space<vmem>>)
      %dma_wait3A_70 = arith.constant 0 : i32
      %dma_wait3A_71 = arith.constant 0 : i32
      %dma_wait3A_72 = tpu.memref_slice %arg7[%dma_wait3A_70, %dma_wait3A_71] : memref<10000x64xf32, #tpu.memory_space<hbm>> -> memref<10000x64xf32, #tpu.memory_space<hbm>>
      tpu.wait_indirect_dma semaphore(%arg25 : memref<!tpu.dma_semaphore, #tpu.memory_space<semaphore_mem>>) src(%dma_wait3A_72 : memref<10000x64xf32, #tpu.memory_space<hbm>>) dst(%arg21 : memref<80x64xf32, #tpu.memory_space<vmem>>)
      %scan3A_73 = arith.constant 0 : i32
      %scan3A_74 = arith.constant 0 : i32
      %scan3A_75 = arith.constant 80 : i32
      %scan3A_76 = arith.addi %scan3A_74, %scan3A_75 : i32
      %scan3A_77 = arith.constant 1 : i32
      %scan3A_78 = scf.for %scan3A_81 = %scan3A_74 to %scan3A_76 step %scan3A_77 iter_args(%scan3A_82 = %scan3A_73) -> (i32)  : i32 {
        %get3A = arith.index_cast %scan3A_81 : i32 to index
        %get3A_83 = arith.constant 0 : index
        %get3A_84 = tpu.vector_load %arg20[%get3A, %get3A_83] {strides = array<i32>} : memref<80x32xf32, #tpu.memory_space<vmem>>, vector<16xf32>,
        %get3A_85 = arith.index_cast %scan3A_81 : i32 to index
        %get3A_86 = arith.constant 0 : index
        %get3A_87 = tpu.vector_load %arg21[%get3A_85, %get3A_86] {strides = array<i32>} : memref<80x64xf32, #tpu.memory_space<vmem>>, vector<16xf32>,
        %get3A_88 = arith.index_cast %scan3A_81 : i32 to index
        %get3A_89 = arith.constant 32 : index
        %get3A_90 = tpu.vector_load %arg21[%get3A_88, %get3A_89] {strides = array<i32>} : memref<80x64xf32, #tpu.memory_space<vmem>>, vector<16xf32>,
        %add3A_91 = arith.addf %get3A_84, %get3A_87 : vector<16xf32>
        %neg3A = arith.constant 0.000000e+00 : f32
        %neg3A_92 = vector.broadcast %neg3A : f32 to vector<16xf32>
        %neg3A_93 = arith.subf %neg3A_92, %add3A_91 : vector<16xf32>
        %exp3A = math.exp %neg3A_93 : vector<16xf32>
        %add3A_94 = arith.constant 1.000000e+00 : f32
        %add3A_95 = vector.broadcast %add3A_94 : f32 to vector<16xf32>
        %add3A_96 = arith.addf %add3A_95, %exp3A : vector<16xf32>
        %div3A = arith.constant 1.000000e+00 : f32
        %div3A_97 = vector.broadcast %div3A : f32 to vector<16xf32>
        %div3A_98 = arith.divf %div3A_97, %add3A_96 : vector<16xf32>
        %mul3A_99 = arith.mulf %div3A_98, %get3A_90 : vector<16xf32>
        %swap3A = arith.index_cast %scan3A_81 : i32 to index
        %swap3A_100 = arith.constant 0 : index
        %swap3A_101 = tpu.vector_load %arg22[%swap3A, %swap3A_100] {strides = array<i32>} : memref<80x32xf32, #tpu.memory_space<vmem>>, vector<16xf32>,
        tpu.vector_store %arg22[%swap3A, %swap3A_100], %mul3A_99 {strides = array<i32>} : memref<80x32xf32, #tpu.memory_space<vmem>>, vector<16xf32>,
        %get3A_102 = arith.index_cast %scan3A_81 : i32 to index
        %get3A_103 = arith.constant 16 : index
        %get3A_104 = tpu.vector_load %arg20[%get3A_102, %get3A_103] {strides = array<i32>} : memref<80x32xf32, #tpu.memory_space<vmem>>, vector<16xf32>,
        %get3A_105 = arith.index_cast %scan3A_81 : i32 to index
        %get3A_106 = arith.constant 16 : index
        %get3A_107 = tpu.vector_load %arg21[%get3A_105, %get3A_106] {strides = array<i32>} : memref<80x64xf32, #tpu.memory_space<vmem>>, vector<16xf32>,
        %get3A_108 = arith.index_cast %scan3A_81 : i32 to index
        %get3A_109 = arith.constant 48 : index
        %get3A_110 = tpu.vector_load %arg21[%get3A_108, %get3A_109] {strides = array<i32>} : memref<80x64xf32, #tpu.memory_space<vmem>>, vector<16xf32>,
        %add3A_111 = arith.addf %get3A_104, %get3A_107 : vector<16xf32>
        %neg3A_112 = arith.constant 0.000000e+00 : f32
        %neg3A_113 = vector.broadcast %neg3A_112 : f32 to vector<16xf32>
        %neg3A_114 = arith.subf %neg3A_113, %add3A_111 : vector<16xf32>
        %exp3A_115 = math.exp %neg3A_114 : vector<16xf32>
        %add3A_116 = arith.constant 1.000000e+00 : f32
        %add3A_117 = vector.broadcast %add3A_116 : f32 to vector<16xf32>
        %add3A_118 = arith.addf %add3A_117, %exp3A_115 : vector<16xf32>
        %div3A_119 = arith.constant 1.000000e+00 : f32
        %div3A_120 = vector.broadcast %div3A_119 : f32 to vector<16xf32>
        %div3A_121 = arith.divf %div3A_120, %add3A_118 : vector<16xf32>
        %mul3A_122 = arith.mulf %div3A_121, %get3A_110 : vector<16xf32>
        %swap3A_123 = arith.index_cast %scan3A_81 : i32 to index
        %swap3A_124 = arith.constant 16 : index
        %swap3A_125 = tpu.vector_load %arg22[%swap3A_123, %swap3A_124] {strides = array<i32>} : memref<80x32xf32, #tpu.memory_space<vmem>>, vector<16xf32>,
        tpu.vector_store %arg22[%swap3A_123, %swap3A_124], %mul3A_122 {strides = array<i32>} : memref<80x32xf32, #tpu.memory_space<vmem>>, vector<16xf32>,
        %scan3A_126 = arith.constant 0 : i32
        scf.yield %scan3A_126 : i32
      }
      %scan3A_79 = arith.constant 80 : i32
      "tpu.region"() ({
        %run_scoped3A = tpu.sem_alloc : memref<!tpu.dma_semaphore, #tpu.memory_space<semaphore_mem>>
        %dma_start3A_81 = arith.constant 0 : i32
        %dma_start3A_82 = arith.constant 0 : i32
        %dma_start3A_83 = tpu.memref_slice %arg23[%dma_start3A_81, %dma_start3A_82] : memref<10000x32xf32, #tpu.memory_space<vmem_shared>> -> memref<10000x32xf32, #tpu.memory_space<vmem_shared>>
        tpu.enqueue_indirect_dma source(%arg22 : memref<80x32xf32, #tpu.memory_space<vmem>>) target(%dma_start3A_83 : memref<10000x32xf32, #tpu.memory_space<vmem_shared>>) offsets(%arg18 : memref<80xi32, #tpu.memory_space<vmem>>) semaphore(%run_scoped3A : memref<!tpu.dma_semaphore, #tpu.memory_space<semaphore_mem>>) {add = true}
        %dma_wait3A_84 = arith.constant 0 : i32
        %dma_wait3A_85 = arith.constant 0 : i32
        %dma_wait3A_86 = tpu.memref_slice %arg23[%dma_wait3A_84, %dma_wait3A_85] : memref<10000x32xf32, #tpu.memory_space<vmem_shared>> -> memref<10000x32xf32, #tpu.memory_space<vmem_shared>>
        tpu.wait_indirect_dma semaphore(%run_scoped3A : memref<!tpu.dma_semaphore, #tpu.memory_space<semaphore_mem>>) src(%arg22 : memref<80x32xf32, #tpu.memory_space<vmem>>) dst(%dma_wait3A_86 : memref<10000x32xf32, #tpu.memory_space<vmem_shared>>)
        tpu.yield
      }) : () -> ()
      %scan3A_80 = arith.constant 0 : i32
      scf.yield %scan3A_80 : i32
    }
    %scan3A_48 = arith.constant 125 : i32
    %barrier3A_49 = arith.constant 0 : index
    tpu.barrier barrier_id(%barrier3A_49)
    %lt3A_50 = arith.constant 10 : i32
    %lt3A_51 = arith.cmpi slt, %arg1, %lt3A_50 : i32
    %convert_element_type3A_52 = arith.extui %lt3A_51 : i1 to i32
    %cond3A_53 = arith.constant 0 : i32
    %cond3A_54 = arith.cmpi ne, %convert_element_type3A_52, %cond3A_53 : i32
    scf.if %cond3A_54 {
      %mul3A_56 = arith.constant 1000 : i32
      %mul3A_57 = arith.muli %arg1, %mul3A_56 : i32
      %mul3A_58 = arith.constant 1000 : i32
      %mul3A_59 = arith.muli %arg1, %mul3A_58 : i32
      "tpu.region"() ({
        %run_scoped3A = tpu.sem_alloc : memref<!tpu.dma_semaphore, #tpu.memory_space<semaphore_mem>>
        %dma_start3A = arith.constant 0 : i32
        %dma_start3A_60 = tpu.memref_slice %arg17[%arg0, %mul3A_59, %dma_start3A] : memref<2x10000x32xf32, #tpu.memory_space<hbm>> -> memref<1x1000x32xf32, #tpu.memory_space<hbm>>
        %dma_start3A_61 = tpu.memref_squeeze %dma_start3A_60 : memref<1x1000x32xf32, #tpu.memory_space<hbm>> -> memref<1000x32xf32, #tpu.memory_space<hbm>>
        %dma_start3A_62 = arith.constant 0 : i32
        %dma_start3A_63 = tpu.memref_slice %arg23[%mul3A_57, %dma_start3A_62] : memref<10000x32xf32, #tpu.memory_space<vmem_shared>> -> memref<1000x32xf32, #tpu.memory_space<vmem_shared>>
        tpu.enqueue_dma source(%dma_start3A_63 : memref<1000x32xf32, #tpu.memory_space<vmem_shared>>) target(%dma_start3A_61 : memref<1000x32xf32, #tpu.memory_space<hbm>>) target_semaphore(%run_scoped3A : memref<!tpu.dma_semaphore, #tpu.memory_space<semaphore_mem>>)
        %dma_wait3A = arith.constant 0 : i32
        %dma_wait3A_64 = tpu.memref_slice %arg17[%arg0, %mul3A_59, %dma_wait3A] : memref<2x10000x32xf32, #tpu.memory_space<hbm>> -> memref<1x1000x32xf32, #tpu.memory_space<hbm>>
        %dma_wait3A_65 = tpu.memref_squeeze %dma_wait3A_64 : memref<1x1000x32xf32, #tpu.memory_space<hbm>> -> memref<1000x32xf32, #tpu.memory_space<hbm>>
        %dma_wait3A_66 = arith.constant 0 : i32
        %dma_wait3A_67 = tpu.memref_slice %arg23[%mul3A_57, %dma_wait3A_66] : memref<10000x32xf32, #tpu.memory_space<vmem_shared>> -> memref<1000x32xf32, #tpu.memory_space<vmem_shared>>
        tpu.wait_dma2 semaphore(%run_scoped3A : memref<!tpu.dma_semaphore, #tpu.memory_space<semaphore_mem>>) src(%dma_wait3A_67 : memref<1000x32xf32, #tpu.memory_space<vmem_shared>>) dst(%dma_wait3A_65 : memref<1000x32xf32, #tpu.memory_space<hbm>>)
        tpu.yield
      }) : () -> ()
    } else {
    }
    %barrier3A_55 = arith.constant 0 : index
    tpu.barrier barrier_id(%barrier3A_55)
    return
  }
}

module attributes {stable_mosaic.version = 14 : i64} {
  func.func @_stage1_body(%arg0: i32, %arg1: memref<2000x128xf32, #tpu.memory_space<vmem>>, %arg2: memref<2000x128xi32, #tpu.memory_space<vmem>>, %arg3: memref<2000x128xf32, #tpu.memory_space<vmem>>, %arg4: memref<128x32xf32, #tpu.memory_space<vmem>>, %arg5: memref<128x32xf32, #tpu.memory_space<vmem>>, %arg6: memref<128x32xf32, #tpu.memory_space<vmem>>, %arg7: memref<128x32xf32, #tpu.memory_space<vmem>>, %arg8: memref<128x32xf32, #tpu.memory_space<vmem>>, %arg9: memref<128x32xf32, #tpu.memory_space<vmem>>, %arg10: memref<2000x32xf32, #tpu.memory_space<vmem>>, %arg11: memref<2000x32xf32, #tpu.memory_space<vmem>>, %arg12: memref<2000x32xf32, #tpu.memory_space<vmem>>, %arg13: memref<2000x32xf32, #tpu.memory_space<vmem>>, %arg14: memref<2000x32xf32, #tpu.memory_space<vmem>>, %arg15: memref<2000x32xf32, #tpu.memory_space<vmem>>) attributes {dimension_semantics = [#tpu.dimension_semantics<arbitrary>], iteration_bounds = array<i64: 5>, scalar_prefetch = 0 : i64, scratch_operands = 0 : i64, tpu.core_type = #tpu.core_type<tc>, window_params = [{transform_indices = @transform_0, window_bounds = array<i64: 2000, 128>}, {transform_indices = @transform_1, window_bounds = array<i64: 2000, 128>}, {transform_indices = @transform_2, window_bounds = array<i64: 2000, 128>}, {pipeline_mode = #tpu.pipeline_mode<synchronous>, transform_indices = @transform_3, window_bounds = array<i64: 128, 32>}, {pipeline_mode = #tpu.pipeline_mode<synchronous>, transform_indices = @transform_4, window_bounds = array<i64: 128, 32>}, {pipeline_mode = #tpu.pipeline_mode<synchronous>, transform_indices = @transform_5, window_bounds = array<i64: 128, 32>}, {pipeline_mode = #tpu.pipeline_mode<synchronous>, transform_indices = @transform_6, window_bounds = array<i64: 128, 32>}, {pipeline_mode = #tpu.pipeline_mode<synchronous>, transform_indices = @transform_7, window_bounds = array<i64: 128, 32>}, {pipeline_mode = #tpu.pipeline_mode<synchronous>, transform_indices = @transform_8, window_bounds = array<i64: 128, 32>}, {transform_indices = @transform_9, window_bounds = array<i64: 2000, 32>}, {transform_indices = @transform_10, window_bounds = array<i64: 2000, 32>}, {transform_indices = @transform_11, window_bounds = array<i64: 2000, 32>}, {transform_indices = @transform_12, window_bounds = array<i64: 2000, 32>}, {transform_indices = @transform_13, window_bounds = array<i64: 2000, 32>}, {transform_indices = @transform_14, window_bounds = array<i64: 2000, 32>}]} {
    %get3A = arith.constant 0 : index
    %get3A_0 = arith.constant 0 : index
    %get3A_1 = vector.load %arg1[%get3A, %get3A_0] : memref<2000x128xf32, #tpu.memory_space<vmem>>, vector<2000x128xf32>
    %get3A_2 = arith.constant 0 : index
    %get3A_3 = arith.constant 0 : index
    %get3A_4 = vector.load %arg4[%get3A_2, %get3A_3] : memref<128x32xf32, #tpu.memory_space<vmem>>, vector<128x32xf32>
    %dot_general3A = arith.constant dense<0.000000e+00> : vector<2000x32xf32>
    %dot_general3A_5 = tpu.matmul %get3A_1, %get3A_4, %dot_general3A {dimension_numbers = #tpu.dot_dimension_numbers<[1], [0], [0], [1], [0, 0, 1, 1], [], []>, transpose_lhs_hint = false} : vector<2000x128xf32>, vector<128x32xf32>, vector<2000x32xf32> -> vector<2000x32xf32>
    %swap3A = arith.constant 0 : index
    %swap3A_6 = arith.constant 0 : index
    %swap3A_7 = vector.load %arg10[%swap3A, %swap3A_6] : memref<2000x32xf32, #tpu.memory_space<vmem>>, vector<2000x32xf32>
    tpu.vector_store %arg10[%swap3A, %swap3A_6], %dot_general3A_5 {strides = array<i32>} : memref<2000x32xf32, #tpu.memory_space<vmem>>, vector<2000x32xf32>,
    %get3A_8 = arith.constant 0 : index
    %get3A_9 = arith.constant 0 : index
    %get3A_10 = vector.load %arg7[%get3A_8, %get3A_9] : memref<128x32xf32, #tpu.memory_space<vmem>>, vector<128x32xf32>
    %dot_general3A_11 = arith.constant dense<0.000000e+00> : vector<2000x32xf32>
    %dot_general3A_12 = tpu.matmul %get3A_1, %get3A_10, %dot_general3A_11 {dimension_numbers = #tpu.dot_dimension_numbers<[1], [0], [0], [1], [0, 0, 1, 1], [], []>, transpose_lhs_hint = false} : vector<2000x128xf32>, vector<128x32xf32>, vector<2000x32xf32> -> vector<2000x32xf32>
    %swap3A_13 = arith.constant 0 : index
    %swap3A_14 = arith.constant 0 : index
    %swap3A_15 = vector.load %arg13[%swap3A_13, %swap3A_14] : memref<2000x32xf32, #tpu.memory_space<vmem>>, vector<2000x32xf32>
    tpu.vector_store %arg13[%swap3A_13, %swap3A_14], %dot_general3A_12 {strides = array<i32>} : memref<2000x32xf32, #tpu.memory_space<vmem>>, vector<2000x32xf32>,
    %get3A_16 = arith.constant 0 : index
    %get3A_17 = arith.constant 0 : index
    %get3A_18 = vector.load %arg2[%get3A_16, %get3A_17] : memref<2000x128xi32, #tpu.memory_space<vmem>>, vector<2000x128xi32>
    %get3A_19 = arith.constant 0 : index
    %get3A_20 = arith.constant 0 : index
    %get3A_21 = vector.load %arg5[%get3A_19, %get3A_20] : memref<128x32xf32, #tpu.memory_space<vmem>>, vector<128x32xf32>
    %dot_general3A_22 = arith.constant dense<0.000000e+00> : vector<2000x32xf32>
    %dot_general3A_23 = tpu.matmul %get3A_18, %get3A_21, %dot_general3A_22 {dimension_numbers = #tpu.dot_dimension_numbers<[1], [0], [0], [1], [0, 0, 1, 1], [], []>, transpose_lhs_hint = false} : vector<2000x128xi32>, vector<128x32xf32>, vector<2000x32xf32> -> vector<2000x32xf32>
    %swap3A_24 = arith.constant 0 : index
    %swap3A_25 = arith.constant 0 : index
    %swap3A_26 = vector.load %arg11[%swap3A_24, %swap3A_25] : memref<2000x32xf32, #tpu.memory_space<vmem>>, vector<2000x32xf32>
    tpu.vector_store %arg11[%swap3A_24, %swap3A_25], %dot_general3A_23 {strides = array<i32>} : memref<2000x32xf32, #tpu.memory_space<vmem>>, vector<2000x32xf32>,
    %get3A_27 = arith.constant 0 : index
    %get3A_28 = arith.constant 0 : index
    %get3A_29 = vector.load %arg8[%get3A_27, %get3A_28] : memref<128x32xf32, #tpu.memory_space<vmem>>, vector<128x32xf32>
    %dot_general3A_30 = arith.constant dense<0.000000e+00> : vector<2000x32xf32>
    %dot_general3A_31 = tpu.matmul %get3A_18, %get3A_29, %dot_general3A_30 {dimension_numbers = #tpu.dot_dimension_numbers<[1], [0], [0], [1], [0, 0, 1, 1], [], []>, transpose_lhs_hint = false} : vector<2000x128xi32>, vector<128x32xf32>, vector<2000x32xf32> -> vector<2000x32xf32>
    %swap3A_32 = arith.constant 0 : index
    %swap3A_33 = arith.constant 0 : index
    %swap3A_34 = vector.load %arg14[%swap3A_32, %swap3A_33] : memref<2000x32xf32, #tpu.memory_space<vmem>>, vector<2000x32xf32>
    tpu.vector_store %arg14[%swap3A_32, %swap3A_33], %dot_general3A_31 {strides = array<i32>} : memref<2000x32xf32, #tpu.memory_space<vmem>>, vector<2000x32xf32>,
    %get3A_35 = arith.constant 0 : index
    %get3A_36 = arith.constant 0 : index
    %get3A_37 = vector.load %arg3[%get3A_35, %get3A_36] : memref<2000x128xf32, #tpu.memory_space<vmem>>, vector<2000x128xf32>
    %get3A_38 = arith.constant 0 : index
    %get3A_39 = arith.constant 0 : index
    %get3A_40 = vector.load %arg6[%get3A_38, %get3A_39] : memref<128x32xf32, #tpu.memory_space<vmem>>, vector<128x32xf32>
    %dot_general3A_41 = arith.constant dense<0.000000e+00> : vector<2000x32xf32>
    %dot_general3A_42 = tpu.matmul %get3A_37, %get3A_40, %dot_general3A_41 {dimension_numbers = #tpu.dot_dimension_numbers<[1], [0], [0], [1], [0, 0, 1, 1], [], []>, transpose_lhs_hint = false} : vector<2000x128xf32>, vector<128x32xf32>, vector<2000x32xf32> -> vector<2000x32xf32>
    %swap3A_43 = arith.constant 0 : index
    %swap3A_44 = arith.constant 0 : index
    %swap3A_45 = vector.load %arg12[%swap3A_43, %swap3A_44] : memref<2000x32xf32, #tpu.memory_space<vmem>>, vector<2000x32xf32>
    tpu.vector_store %arg12[%swap3A_43, %swap3A_44], %dot_general3A_42 {strides = array<i32>} : memref<2000x32xf32, #tpu.memory_space<vmem>>, vector<2000x32xf32>,
    %get3A_46 = arith.constant 0 : index
    %get3A_47 = arith.constant 0 : index
    %get3A_48 = vector.load %arg9[%get3A_46, %get3A_47] : memref<128x32xf32, #tpu.memory_space<vmem>>, vector<128x32xf32>
    %dot_general3A_49 = arith.constant dense<0.000000e+00> : vector<2000x32xf32>
    %dot_general3A_50 = tpu.matmul %get3A_37, %get3A_48, %dot_general3A_49 {dimension_numbers = #tpu.dot_dimension_numbers<[1], [0], [0], [1], [0, 0, 1, 1], [], []>, transpose_lhs_hint = false} : vector<2000x128xf32>, vector<128x32xf32>, vector<2000x32xf32> -> vector<2000x32xf32>
    %swap3A_51 = arith.constant 0 : index
    %swap3A_52 = arith.constant 0 : index
    %swap3A_53 = vector.load %arg15[%swap3A_51, %swap3A_52] : memref<2000x32xf32, #tpu.memory_space<vmem>>, vector<2000x32xf32>
    tpu.vector_store %arg15[%swap3A_51, %swap3A_52], %dot_general3A_50 {strides = array<i32>} : memref<2000x32xf32, #tpu.memory_space<vmem>>, vector<2000x32xf32>,
    return
  }
  func.func @transform_0(%arg0: i32) -> (i32, i32) {
    %c0_i32 = arith.constant 0 : i32
    %c0_i32_0 = arith.constant 0 : i32
    return %arg0, %c0_i32 : i32, i32
  }
  func.func @transform_1(%arg0: i32) -> (i32, i32) {
    %c0_i32 = arith.constant 0 : i32
    %c0_i32_0 = arith.constant 0 : i32
    return %arg0, %c0_i32 : i32, i32
  }
  func.func @transform_2(%arg0: i32) -> (i32, i32) {
    %c0_i32 = arith.constant 0 : i32
    %c0_i32_0 = arith.constant 0 : i32
    return %arg0, %c0_i32 : i32, i32
  }
  func.func @transform_3(%arg0: i32) -> (i32, i32) {
    %c0_i32 = arith.constant 0 : i32
    %c0_i32_0 = arith.constant 0 : i32
    %c0_i32_1 = arith.constant 0 : i32
    return %c0_i32, %c0_i32_0 : i32, i32
  }
  func.func @transform_4(%arg0: i32) -> (i32, i32) {
    %c0_i32 = arith.constant 0 : i32
    %c0_i32_0 = arith.constant 0 : i32
    %c0_i32_1 = arith.constant 0 : i32
    return %c0_i32, %c0_i32_0 : i32, i32
  }
  func.func @transform_5(%arg0: i32) -> (i32, i32) {
    %c0_i32 = arith.constant 0 : i32
    %c0_i32_0 = arith.constant 0 : i32
    %c0_i32_1 = arith.constant 0 : i32
    return %c0_i32, %c0_i32_0 : i32, i32
  }
  func.func @transform_6(%arg0: i32) -> (i32, i32) {
    %c0_i32 = arith.constant 0 : i32
    %c0_i32_0 = arith.constant 0 : i32
    %c0_i32_1 = arith.constant 0 : i32
    return %c0_i32, %c0_i32_0 : i32, i32
  }
  func.func @transform_7(%arg0: i32) -> (i32, i32) {
    %c0_i32 = arith.constant 0 : i32
    %c0_i32_0 = arith.constant 0 : i32
    %c0_i32_1 = arith.constant 0 : i32
    return %c0_i32, %c0_i32_0 : i32, i32
  }
  func.func @transform_8(%arg0: i32) -> (i32, i32) {
    %c0_i32 = arith.constant 0 : i32
    %c0_i32_0 = arith.constant 0 : i32
    %c0_i32_1 = arith.constant 0 : i32
    return %c0_i32, %c0_i32_0 : i32, i32
  }
  func.func @transform_9(%arg0: i32) -> (i32, i32) {
    %c0_i32 = arith.constant 0 : i32
    %c0_i32_0 = arith.constant 0 : i32
    return %arg0, %c0_i32 : i32, i32
  }
  func.func @transform_10(%arg0: i32) -> (i32, i32) {
    %c0_i32 = arith.constant 0 : i32
    %c0_i32_0 = arith.constant 0 : i32
    return %arg0, %c0_i32 : i32, i32
  }
  func.func @transform_11(%arg0: i32) -> (i32, i32) {
    %c0_i32 = arith.constant 0 : i32
    %c0_i32_0 = arith.constant 0 : i32
    return %arg0, %c0_i32 : i32, i32
  }
  func.func @transform_12(%arg0: i32) -> (i32, i32) {
    %c0_i32 = arith.constant 0 : i32
    %c0_i32_0 = arith.constant 0 : i32
    return %arg0, %c0_i32 : i32, i32
  }
  func.func @transform_13(%arg0: i32) -> (i32, i32) {
    %c0_i32 = arith.constant 0 : i32
    %c0_i32_0 = arith.constant 0 : i32
    return %arg0, %c0_i32 : i32, i32
  }
  func.func @transform_14(%arg0: i32) -> (i32, i32) {
    %c0_i32 = arith.constant 0 : i32
    %c0_i32_0 = arith.constant 0 : i32
    return %arg0, %c0_i32 : i32, i32
  }
}

module attributes {stable_mosaic.version = 14 : i64} {
  func.func @_stage3_body(%arg0: memref<2x10000x32xf32, #tpu.memory_space<vmem>>, %arg1: memref<32xf32, #tpu.memory_space<vmem>>, %arg2: memref<32x32xf32, #tpu.memory_space<vmem>>, %arg3: memref<32xf32, #tpu.memory_space<vmem>>, %arg4: memref<32x32xf32, #tpu.memory_space<vmem>>, %arg5: memref<32x32xf32, #tpu.memory_space<vmem>>, %arg6: memref<32x32xf32, #tpu.memory_space<vmem>>, %arg7: memref<32xf32, #tpu.memory_space<vmem>>, %arg8: memref<32xf32, #tpu.memory_space<vmem>>, %arg9: memref<32xf32, #tpu.memory_space<vmem>>, %arg10: memref<10000x64xf32, #tpu.memory_space<vmem>>, %arg11: memref<10000x64xf32, #tpu.memory_space<vmem>>, %arg12: memref<10000x64xf32, #tpu.memory_space<vmem>>) attributes {dimension_semantics = [], scalar_prefetch = 0 : i64, scratch_operands = 0 : i64, tpu.core_type = #tpu.core_type<tc>} {
    %get3A = arith.constant 0 : index
    %get3A_0 = arith.constant 0 : index
    %get3A_1 = arith.constant 0 : index
    %get3A_2 = vector.load %arg0[%get3A, %get3A_0, %get3A_1] : memref<2x10000x32xf32, #tpu.memory_space<vmem>>, vector<2x10000x32xf32>
    %slice3A = vector.extract_strided_slice %get3A_2 {offsets = [0, 0, 0], sizes = [1, 10000, 32], strides = [1, 1, 1]} : vector<2x10000x32xf32> to vector<1x10000x32xf32>
    %squeeze3A = vector.shape_cast %slice3A : vector<1x10000x32xf32> to vector<10000x32xf32>
    %slice3A_3 = vector.extract_strided_slice %get3A_2 {offsets = [1, 0, 0], sizes = [1, 10000, 32], strides = [1, 1, 1]} : vector<2x10000x32xf32> to vector<1x10000x32xf32>
    %squeeze3A_4 = vector.shape_cast %slice3A_3 : vector<1x10000x32xf32> to vector<10000x32xf32>
    %add3A = arith.addf %squeeze3A, %squeeze3A_4 : vector<10000x32xf32>
    %get3A_5 = arith.constant 0 : index
    %get3A_6 = vector.load %arg1[%get3A_5] : memref<32xf32, #tpu.memory_space<vmem>>, vector<32xf32>
    %broadcast_in_dim3A = vector.shape_cast %get3A_6 : vector<32xf32> to vector<1x32xf32>
    %add3A_7 = vector.broadcast %broadcast_in_dim3A : vector<1x32xf32> to vector<10000x32xf32>
    %add3A_8 = arith.addf %add3A, %add3A_7 : vector<10000x32xf32>
    %tanh3A = math.tanh %add3A_8 : vector<10000x32xf32>
    %get3A_9 = arith.constant 0 : index
    %get3A_10 = arith.constant 0 : index
    %get3A_11 = vector.load %arg2[%get3A_9, %get3A_10] : memref<32x32xf32, #tpu.memory_space<vmem>>, vector<32x32xf32>
    %dot_general3A = arith.constant dense<0.000000e+00> : vector<10000x32xf32>
    %dot_general3A_12 = tpu.matmul %tanh3A, %get3A_11, %dot_general3A {dimension_numbers = #tpu.dot_dimension_numbers<[1], [0], [0], [1], [0, 0, 1, 1], [], []>, transpose_lhs_hint = false} : vector<10000x32xf32>, vector<32x32xf32>, vector<10000x32xf32> -> vector<10000x32xf32>
    %get3A_13 = arith.constant 0 : index
    %get3A_14 = vector.load %arg3[%get3A_13] : memref<32xf32, #tpu.memory_space<vmem>>, vector<32xf32>
    %broadcast_in_dim3A_15 = vector.shape_cast %get3A_14 : vector<32xf32> to vector<1x32xf32>
    %add3A_16 = vector.broadcast %broadcast_in_dim3A_15 : vector<1x32xf32> to vector<10000x32xf32>
    %add3A_17 = arith.addf %dot_general3A_12, %add3A_16 : vector<10000x32xf32>
    %tanh3A_18 = math.tanh %add3A_17 : vector<10000x32xf32>
    %get3A_19 = arith.constant 0 : index
    %get3A_20 = arith.constant 0 : index
    %get3A_21 = vector.load %arg4[%get3A_19, %get3A_20] : memref<32x32xf32, #tpu.memory_space<vmem>>, vector<32x32xf32>
    %dot_general3A_22 = arith.constant dense<0.000000e+00> : vector<10000x32xf32>
    %dot_general3A_23 = tpu.matmul %tanh3A_18, %get3A_21, %dot_general3A_22 {dimension_numbers = #tpu.dot_dimension_numbers<[1], [0], [0], [1], [0, 0, 1, 1], [], []>, transpose_lhs_hint = false} : vector<10000x32xf32>, vector<32x32xf32>, vector<10000x32xf32> -> vector<10000x32xf32>
    %get3A_24 = arith.constant 0 : index
    %get3A_25 = vector.load %arg7[%get3A_24] : memref<32xf32, #tpu.memory_space<vmem>>, vector<32xf32>
    %broadcast_in_dim3A_26 = vector.shape_cast %get3A_25 : vector<32xf32> to vector<1x32xf32>
    %add3A_27 = vector.broadcast %broadcast_in_dim3A_26 : vector<1x32xf32> to vector<10000x32xf32>
    %add3A_28 = arith.addf %dot_general3A_23, %add3A_27 : vector<10000x32xf32>
    %swap3A = arith.constant 0 : index
    %swap3A_29 = arith.constant 0 : index
    %swap3A_30 = vector.load %arg10[%swap3A, %swap3A_29] : memref<10000x64xf32, #tpu.memory_space<vmem>>, vector<10000x32xf32>
    tpu.vector_store %arg10[%swap3A, %swap3A_29], %add3A_28 {strides = array<i32>} : memref<10000x64xf32, #tpu.memory_space<vmem>>, vector<10000x32xf32>,
    %swap3A_31 = arith.constant 0 : index
    %swap3A_32 = arith.constant 32 : index
    %swap3A_33 = vector.load %arg10[%swap3A_31, %swap3A_32] : memref<10000x64xf32, #tpu.memory_space<vmem>>, vector<10000x32xf32>
    tpu.vector_store %arg10[%swap3A_31, %swap3A_32], %tanh3A_18 {strides = array<i32>} : memref<10000x64xf32, #tpu.memory_space<vmem>>, vector<10000x32xf32>,
    %get3A_34 = arith.constant 0 : index
    %get3A_35 = arith.constant 0 : index
    %get3A_36 = vector.load %arg5[%get3A_34, %get3A_35] : memref<32x32xf32, #tpu.memory_space<vmem>>, vector<32x32xf32>
    %dot_general3A_37 = arith.constant dense<0.000000e+00> : vector<10000x32xf32>
    %dot_general3A_38 = tpu.matmul %tanh3A_18, %get3A_36, %dot_general3A_37 {dimension_numbers = #tpu.dot_dimension_numbers<[1], [0], [0], [1], [0, 0, 1, 1], [], []>, transpose_lhs_hint = false} : vector<10000x32xf32>, vector<32x32xf32>, vector<10000x32xf32> -> vector<10000x32xf32>
    %get3A_39 = arith.constant 0 : index
    %get3A_40 = vector.load %arg8[%get3A_39] : memref<32xf32, #tpu.memory_space<vmem>>, vector<32xf32>
    %broadcast_in_dim3A_41 = vector.shape_cast %get3A_40 : vector<32xf32> to vector<1x32xf32>
    %add3A_42 = vector.broadcast %broadcast_in_dim3A_41 : vector<1x32xf32> to vector<10000x32xf32>
    %add3A_43 = arith.addf %dot_general3A_38, %add3A_42 : vector<10000x32xf32>
    %swap3A_44 = arith.constant 0 : index
    %swap3A_45 = arith.constant 0 : index
    %swap3A_46 = vector.load %arg11[%swap3A_44, %swap3A_45] : memref<10000x64xf32, #tpu.memory_space<vmem>>, vector<10000x32xf32>
    tpu.vector_store %arg11[%swap3A_44, %swap3A_45], %add3A_43 {strides = array<i32>} : memref<10000x64xf32, #tpu.memory_space<vmem>>, vector<10000x32xf32>,
    %swap3A_47 = arith.constant 0 : index
    %swap3A_48 = arith.constant 32 : index
    %swap3A_49 = vector.load %arg11[%swap3A_47, %swap3A_48] : memref<10000x64xf32, #tpu.memory_space<vmem>>, vector<10000x32xf32>
    tpu.vector_store %arg11[%swap3A_47, %swap3A_48], %tanh3A_18 {strides = array<i32>} : memref<10000x64xf32, #tpu.memory_space<vmem>>, vector<10000x32xf32>,
    %get3A_50 = arith.constant 0 : index
    %get3A_51 = arith.constant 0 : index
    %get3A_52 = vector.load %arg6[%get3A_50, %get3A_51] : memref<32x32xf32, #tpu.memory_space<vmem>>, vector<32x32xf32>
    %dot_general3A_53 = arith.constant dense<0.000000e+00> : vector<10000x32xf32>
    %dot_general3A_54 = tpu.matmul %tanh3A_18, %get3A_52, %dot_general3A_53 {dimension_numbers = #tpu.dot_dimension_numbers<[1], [0], [0], [1], [0, 0, 1, 1], [], []>, transpose_lhs_hint = false} : vector<10000x32xf32>, vector<32x32xf32>, vector<10000x32xf32> -> vector<10000x32xf32>
    %get3A_55 = arith.constant 0 : index
    %get3A_56 = vector.load %arg9[%get3A_55] : memref<32xf32, #tpu.memory_space<vmem>>, vector<32xf32>
    %broadcast_in_dim3A_57 = vector.shape_cast %get3A_56 : vector<32xf32> to vector<1x32xf32>
    %add3A_58 = vector.broadcast %broadcast_in_dim3A_57 : vector<1x32xf32> to vector<10000x32xf32>
    %add3A_59 = arith.addf %dot_general3A_54, %add3A_58 : vector<10000x32xf32>
    %swap3A_60 = arith.constant 0 : index
    %swap3A_61 = arith.constant 0 : index
    %swap3A_62 = vector.load %arg12[%swap3A_60, %swap3A_61] : memref<10000x64xf32, #tpu.memory_space<vmem>>, vector<10000x32xf32>
    tpu.vector_store %arg12[%swap3A_60, %swap3A_61], %add3A_59 {strides = array<i32>} : memref<10000x64xf32, #tpu.memory_space<vmem>>, vector<10000x32xf32>,
    %swap3A_63 = arith.constant 0 : index
    %swap3A_64 = arith.constant 32 : index
    %swap3A_65 = vector.load %arg12[%swap3A_63, %swap3A_64] : memref<10000x64xf32, #tpu.memory_space<vmem>>, vector<10000x32xf32>
    tpu.vector_store %arg12[%swap3A_63, %swap3A_64], %tanh3A_18 {strides = array<i32>} : memref<10000x64xf32, #tpu.memory_space<vmem>>, vector<10000x32xf32>,
    return
  }
}

module attributes {stable_mosaic.version = 14 : i64} {
  func.func @_stage5_body(%arg0: memref<2x10000x32xf32, #tpu.memory_space<vmem>>, %arg1: memref<2x10000x32xf32, #tpu.memory_space<vmem>>, %arg2: memref<2x10000x32xf32, #tpu.memory_space<vmem>>, %arg3: memref<96x10000xf32, #tpu.memory_space<vmem>>, %arg4: memref<10000x32xf32, #tpu.memory_space<vmem>>, %arg5: memref<10000x32xf32, #tpu.memory_space<vmem>>, %arg6: memref<10000x32xf32, #tpu.memory_space<vmem>>) attributes {dimension_semantics = [], scalar_prefetch = 0 : i64, scratch_operands = 0 : i64, tpu.core_type = #tpu.core_type<tc>} {
    %get3A = arith.constant 0 : index
    %get3A_0 = arith.constant 0 : index
    %get3A_1 = vector.load %arg3[%get3A, %get3A_0] : memref<96x10000xf32, #tpu.memory_space<vmem>>, vector<96x10000xf32>
    %reshape3A = vector.shape_cast %get3A_1 : vector<96x10000xf32> to vector<32x3x10000xf32>
    %reduce_sum3A = arith.constant dense<0.000000e+00> : vector<3x10000xf32>
    %reduce_sum3A_2 = vector.multi_reduction <add>, %reshape3A, %reduce_sum3A [0] : vector<32x3x10000xf32> to vector<3x10000xf32>
    %get3A_3 = arith.constant 0 : index
    %get3A_4 = arith.constant 0 : index
    %get3A_5 = arith.constant 0 : index
    %get3A_6 = vector.load %arg0[%get3A_3, %get3A_4, %get3A_5] : memref<2x10000x32xf32, #tpu.memory_space<vmem>>, vector<2x10000x32xf32>
    %slice3A = vector.extract_strided_slice %reduce_sum3A_2 {offsets = [0, 0], sizes = [1, 10000], strides = [1, 1]} : vector<3x10000xf32> to vector<1x10000xf32>
    %squeeze3A = vector.shape_cast %slice3A : vector<1x10000xf32> to vector<10000xf32>
    %max3A = arith.constant 1.000000e+00 : f32
    %max3A_7 = vector.broadcast %max3A : f32 to vector<10000xf32>
    %max3A_8 = arith.maximumf %squeeze3A, %max3A_7 : vector<10000xf32>
    %div3A = arith.constant 1.000000e+00 : f32
    %div3A_9 = vector.broadcast %div3A : f32 to vector<10000xf32>
    %div3A_10 = arith.divf %div3A_9, %max3A_8 : vector<10000xf32>
    %slice3A_11 = vector.extract_strided_slice %get3A_6 {offsets = [0, 0, 0], sizes = [1, 10000, 32], strides = [1, 1, 1]} : vector<2x10000x32xf32> to vector<1x10000x32xf32>
    %squeeze3A_12 = vector.shape_cast %slice3A_11 : vector<1x10000x32xf32> to vector<10000x32xf32>
    %slice3A_13 = vector.extract_strided_slice %get3A_6 {offsets = [1, 0, 0], sizes = [1, 10000, 32], strides = [1, 1, 1]} : vector<2x10000x32xf32> to vector<1x10000x32xf32>
    %squeeze3A_14 = vector.shape_cast %slice3A_13 : vector<1x10000x32xf32> to vector<10000x32xf32>
    %add3A = arith.addf %squeeze3A_12, %squeeze3A_14 : vector<10000x32xf32>
    %broadcast_in_dim3A = vector.shape_cast %div3A_10 : vector<10000xf32> to vector<10000x1xf32>
    %mul3A = vector.broadcast %broadcast_in_dim3A : vector<10000x1xf32> to vector<10000x32xf32>
    %mul3A_15 = arith.mulf %add3A, %mul3A : vector<10000x32xf32>
    %swap3A = arith.constant 0 : index
    %swap3A_16 = arith.constant 0 : index
    %swap3A_17 = vector.load %arg4[%swap3A, %swap3A_16] : memref<10000x32xf32, #tpu.memory_space<vmem>>, vector<10000x32xf32>
    tpu.vector_store %arg4[%swap3A, %swap3A_16], %mul3A_15 {strides = array<i32>} : memref<10000x32xf32, #tpu.memory_space<vmem>>, vector<10000x32xf32>,
    %get3A_18 = arith.constant 0 : index
    %get3A_19 = arith.constant 0 : index
    %get3A_20 = arith.constant 0 : index
    %get3A_21 = vector.load %arg1[%get3A_18, %get3A_19, %get3A_20] : memref<2x10000x32xf32, #tpu.memory_space<vmem>>, vector<2x10000x32xf32>
    %slice3A_22 = vector.extract_strided_slice %reduce_sum3A_2 {offsets = [1, 0], sizes = [1, 10000], strides = [1, 1]} : vector<3x10000xf32> to vector<1x10000xf32>
    %squeeze3A_23 = vector.shape_cast %slice3A_22 : vector<1x10000xf32> to vector<10000xf32>
    %max3A_24 = arith.constant 1.000000e+00 : f32
    %max3A_25 = vector.broadcast %max3A_24 : f32 to vector<10000xf32>
    %max3A_26 = arith.maximumf %squeeze3A_23, %max3A_25 : vector<10000xf32>
    %div3A_27 = arith.constant 1.000000e+00 : f32
    %div3A_28 = vector.broadcast %div3A_27 : f32 to vector<10000xf32>
    %div3A_29 = arith.divf %div3A_28, %max3A_26 : vector<10000xf32>
    %slice3A_30 = vector.extract_strided_slice %get3A_21 {offsets = [0, 0, 0], sizes = [1, 10000, 32], strides = [1, 1, 1]} : vector<2x10000x32xf32> to vector<1x10000x32xf32>
    %squeeze3A_31 = vector.shape_cast %slice3A_30 : vector<1x10000x32xf32> to vector<10000x32xf32>
    %slice3A_32 = vector.extract_strided_slice %get3A_21 {offsets = [1, 0, 0], sizes = [1, 10000, 32], strides = [1, 1, 1]} : vector<2x10000x32xf32> to vector<1x10000x32xf32>
    %squeeze3A_33 = vector.shape_cast %slice3A_32 : vector<1x10000x32xf32> to vector<10000x32xf32>
    %add3A_34 = arith.addf %squeeze3A_31, %squeeze3A_33 : vector<10000x32xf32>
    %broadcast_in_dim3A_35 = vector.shape_cast %div3A_29 : vector<10000xf32> to vector<10000x1xf32>
    %mul3A_36 = vector.broadcast %broadcast_in_dim3A_35 : vector<10000x1xf32> to vector<10000x32xf32>
    %mul3A_37 = arith.mulf %add3A_34, %mul3A_36 : vector<10000x32xf32>
    %swap3A_38 = arith.constant 0 : index
    %swap3A_39 = arith.constant 0 : index
    %swap3A_40 = vector.load %arg5[%swap3A_38, %swap3A_39] : memref<10000x32xf32, #tpu.memory_space<vmem>>, vector<10000x32xf32>
    tpu.vector_store %arg5[%swap3A_38, %swap3A_39], %mul3A_37 {strides = array<i32>} : memref<10000x32xf32, #tpu.memory_space<vmem>>, vector<10000x32xf32>,
    %get3A_41 = arith.constant 0 : index
    %get3A_42 = arith.constant 0 : index
    %get3A_43 = arith.constant 0 : index
    %get3A_44 = vector.load %arg2[%get3A_41, %get3A_42, %get3A_43] : memref<2x10000x32xf32, #tpu.memory_space<vmem>>, vector<2x10000x32xf32>
    %slice3A_45 = vector.extract_strided_slice %reduce_sum3A_2 {offsets = [2, 0], sizes = [1, 10000], strides = [1, 1]} : vector<3x10000xf32> to vector<1x10000xf32>
    %squeeze3A_46 = vector.shape_cast %slice3A_45 : vector<1x10000xf32> to vector<10000xf32>
    %max3A_47 = arith.constant 1.000000e+00 : f32
    %max3A_48 = vector.broadcast %max3A_47 : f32 to vector<10000xf32>
    %max3A_49 = arith.maximumf %squeeze3A_46, %max3A_48 : vector<10000xf32>
    %div3A_50 = arith.constant 1.000000e+00 : f32
    %div3A_51 = vector.broadcast %div3A_50 : f32 to vector<10000xf32>
    %div3A_52 = arith.divf %div3A_51, %max3A_49 : vector<10000xf32>
    %slice3A_53 = vector.extract_strided_slice %get3A_44 {offsets = [0, 0, 0], sizes = [1, 10000, 32], strides = [1, 1, 1]} : vector<2x10000x32xf32> to vector<1x10000x32xf32>
    %squeeze3A_54 = vector.shape_cast %slice3A_53 : vector<1x10000x32xf32> to vector<10000x32xf32>
    %slice3A_55 = vector.extract_strided_slice %get3A_44 {offsets = [1, 0, 0], sizes = [1, 10000, 32], strides = [1, 1, 1]} : vector<2x10000x32xf32> to vector<1x10000x32xf32>
    %squeeze3A_56 = vector.shape_cast %slice3A_55 : vector<1x10000x32xf32> to vector<10000x32xf32>
    %add3A_57 = arith.addf %squeeze3A_54, %squeeze3A_56 : vector<10000x32xf32>
    %broadcast_in_dim3A_58 = vector.shape_cast %div3A_52 : vector<10000xf32> to vector<10000x1xf32>
    %mul3A_59 = vector.broadcast %broadcast_in_dim3A_58 : vector<10000x1xf32> to vector<10000x32xf32>
    %mul3A_60 = arith.mulf %add3A_57, %mul3A_59 : vector<10000x32xf32>
    %swap3A_61 = arith.constant 0 : index
    %swap3A_62 = arith.constant 0 : index
    %swap3A_63 = vector.load %arg6[%swap3A_61, %swap3A_62] : memref<10000x32xf32, #tpu.memory_space<vmem>>, vector<10000x32xf32>
    tpu.vector_store %arg6[%swap3A_61, %swap3A_62], %mul3A_60 {strides = array<i32>} : memref<10000x32xf32, #tpu.memory_space<vmem>>, vector<10000x32xf32>,
    return
  }
}

</mosaic_0001>

<sc_bundles>
// kernel: kernel.10.cloned.1.call-start
scs
__scs_entry_jumppad:
0x0: {  	(pc) =	sbr.rel $0x88, $3  }
0x1: {  	(tag) =	ssettag $0x0;
	lr =	simm.s32 $0x1  }
0x2: {  	[smem:$0x3F91] =	sst lr;
	_ =	strace $0xD0000000  }
0x3: {  	_ = 	snop  }
0x4: {  	_ = 	snop  }
0x5: {  	_ = 	snop  }
0x6: {  	_ = 	snop  }
0x7: {  	_ = 	snop  }
__scs_overlays_trampoline_lowered:
0x8: {  	[smem:$0x3FA0] =	sst s0  }
0x9: {  	[smem:$0x3FA1] =	sst s1  }
0xa: {  	[smem:$0x3FA2] =	sst s2  }
0xb: {  	[smem:$0x3FA3] =	sst s3  }
0xc: {  	[smem:$0x3FA4] =	sst s4  }
0xd: {  	[smem:$0x3FA5] =	sst s5  }
0xe: {  	[smem:$0x3FA6] =	sst s6  }
0xf: {  	[smem:$0x3FA7] =	sst s7  }
0x10: {  	[smem:$0x3FA8] =	sst s8  }
0x11: {  	[smem:$0x3FA9] =	sst s9;
	s0 =	simm.s32 @!p0 $0x0  }
0x12: {  	s1 =	sld [smem:$0x3F8F];
	s0 =	simm.s32 @p0 $0x1  }
0x13: {  	[smem:$0x3FAA] =	sst s0;
	s0 =	simm.s32 @!p1 $0x0  }
0x14: {  	s2 =	sld [smem:$0x3F8E];
	s0 =	simm.s32 @p1 $0x1  }
0x15: {  	[smem:$0x3FAB] =	sst s0;
	s0 =	simm.s32 @!p2 $0x0  }
0x16: {  	s3 =	sld [smem:$0x3FDB];
	s0 =	simm.s32 @p2 $0x1  }
0x17: {  	s4 =	simm.s32 $0x1BF5;
	[smem:$0x3FAD] =	sst s0  }
0x18: {  	s0 =	sld [smem:$0x3F90];
	_ =	swait.ge [sflag:s4], $0x0  }
0x19: {  	s7 =	sld [smem:$0x3F91]  }
0x1a: {  	s8 =	sadd.s32 $0xFFFFE003, lr  }
0x1b: {  	s9 =	sadd.s32 $0xFFFFFEF7, lr;
	s5 =	simm.s32 $0xFFFFFFFF;
	p2 =	slt.u32 s8, $0xFFFFF086  }
0x1c: {  	p1 =	slt.u32 s9, $0xF7A;
	s5 =	simm.s32 @!p2 $0x0  }
0x1d: {  	s5 =	simm.s32 @p1 $0x1;
	p0 =	seq.s32 s7, s2  }
0x1e: {  	s7 =	smul.u32 @!p0 $0xF7A, s2;
	p2 =	seq.s32 @!p0 s5, $0x0  }
0x1f: {  	s9 =	smul.u32 $0xF7A, s1;
	s8 =	simm.s32 @!p0 $0x1BF5;
	p2 =	por !p2, p0  }
0x20: {  	[sflag:s8] =	ssyncset.s32 @!p0 $0xFFFFF086;
	s6 =	sadd.s32 @!p0 s3, s7;
	s7 =	simm.s32 @!p0 $0x108  }
0x21: {  	s3 =	sadd.s32 s3, s9;
	s6 =	sadd.s32 @!p0 $0x88, s6;
	s7 =	simm.s32 @p2 $0x1082  }
0x22: {  	[simem:s7], [sflag:s8] =	dma.local @!p0 [hbm:s6], $0xF7A  }
0x23: {  	s9 =	sor.u32 $0xD0000000, s2;
	s6 =	simm.s32 $0x108;
	_ =	swait.ge @!p0 [sflag:s8], $0x0  }
0x24: {  	s3 =	sadd.s32 $0x88, s3;
	s6 =	simm.s32 @!p1 $0x1082;
	[sflag:s4] =	ssyncset.s32 $0xFFFFF086  }
0x25: {  	[simem:s6], [sflag:s4] =	dma.local [hbm:s3], $0xF7A  }
0x26: {  	[smem:$0x3F91] =	sst s1;
	(tag) =	ssettag s2;
	_ =	strace s9  }
0x27: {  	s1 =	sld [smem:$0x3FA1]  }
0x28: {  	s2 =	sld [smem:$0x3FA2]  }
0x29: {  	s4 =	sld [smem:$0x3FA4]  }
0x2a: {  	p0 =	seq.s32 s5, $0x0;
	s5 =	sld [smem:$0x3FA5]  }
0x2b: {  	s6 =	sld [smem:$0x3FA6]  }
0x2c: {  	s7 =	sld [smem:$0x3FA7]  }
0x2d: {  	s3 =	simm.s32 $0x108;
	s8 =	sld [smem:$0x3FA8]  }
0x2e: {  	s3 =	simm.s32 @!p0 $0x1082;
	s9 =	sld [smem:$0x3FA9]  }
0x2f: {  	lr =	sadd.s32 s0, s3;
	s0 =	sld [smem:$0x3FA0]  }
0x30: {  	s3 =	sld [smem:$0x3FA3]  }
0x31: {  	[smem:$0x3FAC] =	sst s10  }
0x32: {  	s10 =	sld [smem:$0x3FAA];
	_ =	sdelay $0x3  }
0x33: {  	p0 =	seq.s32 s10, $0x1;
	s10 =	sld [smem:$0x3FAC];
	_ =	sdelay $0x3  }
0x34: {  	[smem:$0x3FAC] =	sst s10  }
0x35: {  	s10 =	sld [smem:$0x3FAB];
	_ =	sdelay $0x3  }
0x36: {  	p1 =	seq.s32 s10, $0x1;
	s10 =	sld [smem:$0x3FAC];
	_ =	sdelay $0x3  }
0x37: {  	[smem:$0x3FAC] =	sst s10  }
0x38: {  	s10 =	sld [smem:$0x3FAD]  }
0x39: {  	_ = 	snop;
	(pc) =	sbr.ind lr, $3  }
0x3a: {  	_ = 	snop  }
0x3b: {  	_ = 	snop  }
0x3c: {  	p2 =	seq.s32 s10, $0x1;
	s10 =	sld [smem:$0x3FAC]  }
0x3d: {  	_ =	shalt  }
0x3e: {  	_ =	shalt  }
0x3f: {  	_ =	shalt  }
0x40: {  	_ =	shalt  }
0x41: {  	_ =	shalt  }
0x42: {  	_ =	shalt  }
0x43: {  	_ =	shalt  }
0x44: {  	_ =	shalt  }
0x45: {  	_ =	shalt  }
0x46: {  	_ =	shalt  }
0x47: {  	_ =	shalt  }
0x48: {  	_ =	shalt  }
0x49: {  	_ =	shalt  }
0x4a: {  	_ =	shalt  }
0x4b: {  	_ =	shalt  }
0x4c: {  	_ =	shalt  }
0x4d: {  	_ =	shalt  }
0x4e: {  	_ =	shalt  }
0x4f: {  	_ =	shalt  }
0x50: {  	_ =	shalt  }
0x51: {  	_ =	shalt  }
0x52: {  	_ =	shalt  }
0x53: {  	_ =	shalt  }
0x54: {  	_ =	shalt  }
0x55: {  	_ =	shalt  }
0x56: {  	_ =	shalt  }
0x57: {  	_ =	shalt  }
0x58: {  	_ =	shalt  }
0x59: {  	_ =	shalt  }
0x5a: {  	_ =	shalt  }
0x5b: {  	_ =	shalt  }
0x5c: {  	_ =	shalt  }
0x5d: {  	_ =	shalt  }
0x5e: {  	_ =	shalt  }
0x5f: {  	_ =	shalt  }
0x60: {  	_ =	shalt  }
0x61: {  	_ =	shalt  }
0x62: {  	_ =	shalt  }
0x63: {  	_ =	shalt  }
0x64: {  	_ =	shalt  }
0x65: {  	_ =	shalt  }
0x66: {  	_ =	shalt  }
0x67: {  	_ =	shalt  }
0x68: {  	_ =	shalt  }
0x69: {  	_ =	shalt  }
0x6a: {  	_ =	shalt  }
0x6b: {  	_ =	shalt  }
0x6c: {  	_ =	shalt  }
0x6d: {  	_ =	shalt  }
0x6e: {  	_ =	shalt  }
0x6f: {  	_ =	shalt  }
0x70: {  	_ =	shalt  }
0x71: {  	_ =	shalt  }
0x72: {  	_ =	shalt  }
0x73: {  	_ =	shalt  }
0x74: {  	_ =	shalt  }
0x75: {  	_ =	shalt  }
0x76: {  	_ =	shalt  }
0x77: {  	_ =	shalt  }
0x78: {  	_ =	shalt  }
0x79: {  	_ =	shalt  }
0x7a: {  	_ =	shalt  }
0x7b: {  	_ =	shalt  }
0x7c: {  	_ =	shalt  }
0x7d: {  	_ =	shalt  }
0x7e: {  	_ =	shalt  }
0x7f: {  	_ =	shalt  }
0x80: {  	_ =	shalt  }
0x81: {  	_ =	shalt  }
0x82: {  	_ =	shalt  }
0x83: {  	_ =	shalt  }
0x84: {  	_ =	shalt  }
0x85: {  	_ =	shalt  }
0x86: {  	_ =	shalt  }
0x87: {  	_ =	shalt  }
.Lfunc_end0:
.L_simem_size_0:
called_computation.1_lowered:
.L_overlay_start_0:
0x88: {  	s2 =	sld [smem:$0x3FD9]  }
0x89: {  	s3 =	sld [smem:$0x3FFE];
	_ =	sdelay $0x1  }
0x8a: {  	s1 =	srdreg.scid  }
0x8b: {  	s0 =	sand.u32 $0x1, s1  }
0x8c: {  	s14 =	sshll.u32 s0, $0xA;
	s2 =	sadd.s32 s3, s2  }
0x8d: {  	s2 =	sadd.s32 s2, s14  }
0x8e: {  	[smem:$0x3FB8] =	sst s2  }
0x8f: {  	_ = 	snop  }
0x90: {  	s2 =	sld [smem:$0x3FD0];
	_ =	sdelay $0x2  }
0x91: {  	s15 =	simm.s32 $0xA;
	s4 =	simm.s32 $0x10  }
0x92: {  	[smem:s4], [sflag:s15] =	dma.local [hbm:s2], $0x1  }
0x93: {  	_ =	swait.eq [sflag:s15], $0x1  }
0x94: {  	s16 =	sld [smem:$0x10];
	[sflag:s15] =	ssyncset.done $0x0  }
0x95: {  	s17 =	sld [smem:$0x11];
	[sflag:s15] =	ssyncadd.s32 $0xFFFFFFFF  }
0x96: {  	s18 =	sld [smem:$0x12];
	(tm) =	ssettm $0x1  }
0x97: {  	s5 =	sld [smem:$0x3FFB];
	_ =	sdelay $0x3  }
0x98: {  	_ =	strace s5  }
0x99: {  	s5 =	sld [smem:$0x3FFC];
	_ =	sdelay $0x3  }
0x9a: {  	_ =	strace s5  }
0x9b: {  	s5 =	sld [smem:$0x3FFD];
	_ =	sdelay $0x3  }
0x9c: {  	_ =	strace s5  }
0x9d: {  	_ =	strace $0x8FFFFFFF  }
0x9e: {  	s19 =	sld [smem:$0x3FDB];
	_ =	sdelay $0x1  }
0x9f: {  	s6 =	simm.s32 $_scs_section_size  }
0xa0: {  	s7 =	simm.s32 $_size__tile_overlayer_lowered;
	s8 =	simm.s32 $_tile_overlayer_lowered  }
0xa1: {  	s22 =	simm.s32 $0x1BFF;
	s21 =	sshll.u32 s8, $0x1;
	s5 =	sadd.s32 s6, s19  }
0xa2: {  	s9 =	simm.s32 $0x0;
	s20 =	sshll.u32 s7, $0x1;
	s7 =	sadd.s32 s21, s5  }
0xa3: {  	[timem:s9], [sflag:s22] =	dma.local [hbm:s7], s20  }
0xa4: {  	_ =	swait.ge [sflag:s22], s20  }
0xa5: {  	s6 =	ssub.s32 $0x0, s20;
	[sflag:s22] =	ssyncset.done $0x0  }
0xa6: {  	[sflag:s22] =	ssyncadd.s32 s6;
	_ =	sdelay $0x1  }
0xa7: {  	s23 =	simm.s32 $0x1B8B  }
0xa8: {  	_ =	swait.ge [sflag:s23], $0x1  }
0xa9: {  	[sflag:s23] =	ssyncset.done $0x0  }
0xaa: {  	s25 =	simm.s32 $0x1B8E;
	s24 =	sld [smem:$0x3FFE];
	[sflag:s23] =	ssyncadd.s32 $0xFFFFFFFF  }
0xab: {  	s26 =	simm.s32 $execute0_lowered;
	[smem:$0x3FD2] =	sst s25  }
0xac: {  	s7 =	sshll.u32 s26, $0x1;
	_ =	strace $0x80000049;
	[dreg:$0x1] =	wrdreg $0xFFFFFFFF  }
0xad: {  	s28 =	simm.s32 $_size_execute0_lowered;
	s5 =	sadd.s32 s5, s7;
	[dreg:$0x0] =	wrdreg $0x0  }
0xae: {  	s7 =	sshll.u32 s28, $0x1;
	[dreg:$0x2] =	wrdreg s5  }
0xaf: {  	[dreg:$0x3] =	wrdreg s7  }
0xb0: {  	[dreg:$0x4] =	wrdreg $0xC0  }
0xb1: {  	_ =	task [dreg:s9], $0x5FFFF  }
0xb2: {  	[dreg:$0x1] =	wrdreg $0xFFFFFFFF  }
0xb3: {  	[dreg:$0x0] =	wrdreg $0x60  }
0xb4: {  	[dreg:$0x2] =	wrdreg s18  }
0xb5: {  	[dreg:$0x3] =	wrdreg s17  }
0xb6: {  	[dreg:$0x4] =	wrdreg s16  }
0xb7: {  	[dreg:$0x5] =	wrdreg s24  }
0xb8: {  	[dreg:$0x6] =	wrdreg $0x28A00  }
0xb9: {  	[dreg:$0x7] =	wrdreg $0x9  }
0xba: {  	_ =	task.clear_ibuf [dreg:s9], $0x8FFFF;
	_ =	strace $0x90000049  }
0xbb: {  	s29 =	simm.s32 $0x9;
	_ =	strace $0x8000004B  }
0xbc: {  	_ =	swait.ge [sflag:s29], $0x1  }
0xbd: {  	[sflag:s29] =	ssyncadd.s32 $0xFFFFFFFF  }
0xbe: {  	_ =	strace $0x9000004B  }
0xbf: {  	_ =	sfence  }
0xc0: {  	s30 =	sld [smem:$0x0];
	_ =	sdelay $0x2  }
0xc1: {  	s31 =	sshll.u32 s1, $0xD;
	s1 =	sshrl.u32 s1, $0x2  }
0xc2: {  	s3 =	sand.u32 $0x4000, s31;
	s1 =	sadd.s32 s1, s30  }
0xc3: {  	s0 =	sor.u32 s3, s0;
	s1 =	sshll.u32 s1, $0x11  }
0xc4: {  	s0 =	sor.u32 s1, s0  }
0xc5: {  	s0 =	sadd.s32 $0x8F2B, s0  }
0xc6: {  	[sflag:s0] =	ssyncadd.remote.s32 $0x1  }
0xc7: {  	_ =	sfence.sel $0xFFFF  }
0xc8: {  	[dreg:$0x0] =	wrdreg $0xFFFFFFFF;
	(pc) =	sbr.abs _section_cstart, $3  }
0xc9: {  	[dreg:$0x1] =	wrdreg $0xFFFFFFFF  }
0xca: {  	_ =	task.clear_ibuf [dreg:s9], $0x2FFFF;
	_ =	strace $0x9FFFFFFF  }
0xcb: {  	(tm) =	ssettm $0x7FFFFFFF  }
tec
execute0_lowered:
.L_overlay_start_1:
0x0: {  	(tag) =	ssettag $0x1  }
0x1: {  	s1 =	rddreg [dreg:$0x0]  }
0x2: {  	s2 =	rddreg [dreg:$0x1]  }
0x3: {  	s3 =	rddreg [dreg:$0x2]  }
0x4: {  	s0 =	rddreg [dreg:$0x3]  }
0x5: {  	s4 =	rddreg [dreg:$0x4]  }
0x6: {  	s5 =	simm.s32 $0x0;
	s21 =	stileid.u32;
	s6 =	srdreg.scid  }
0x7: {  	s28 =	simm.s32 $0xAA0;
	s29 =	simm.s32 $0x1;
	s30 =	simm.s32 $0x2  }
0x8: {  	s31 =	simm.s32 $0x1EA0;
	[smem:$0x7FF] =	sst s5;
	s7 =	sadd.s32 $0xCA400, s0  }
0x9: {  	s8 =	sadd.s32 $0x2C600, s0;
	s9 =	sadd.s32 $0x40000, s0;
	s16 =	smul.u32 $0x7D00, s21  }
0xa: {  	s6 =	sand.u32 $0x1, s6;
	s10 =	sadd.s32 $0xE800, s0;
	s11 =	sadd.s32 $0x2C400, s0  }
0xb: {  	s12 =	sadd.s32 $0x22400, s0;
	s13 =	sadd.s32 $0x4A00, s0;
	s14 =	sadd.s32 $0x2C200, s0  }
0xc: {  	s15 =	sadd.s32 $0x18600, s0;
	p0 =	sgt.u32 s21, $0x9;
	_ =	strace $0x8000004A  }
0xd: {  	s17 =	smul.u32 $0x4E200, s6;
	s19 =	ssub.s32 $0x2, s6;
	s6 =	sshll.u32 s6, $0x4  }
0xe: {  	s18 =	sshrl.u32 s16, $0x3;
	s22 =	sshrl.u32 s19, $0x1;
	s6 =	sor.u32 s21, s6  }
0xf: {  	s20 =	sadd.s32 s16, s4;
	s17 =	sadd.s32 s16, s17;
	s18 =	sadd.s32 s18, s0  }
0x10: {  	s19 =	ssub.s32 s19, s22;
	s17 =	sshrl.u32 s17, $0x3;
	s23 =	sadd.s32 $0xC0600, s18  }
0x11: {  	s26 =	smax.u32 s19, $0x1;
	s0 =	sadd.s32 s17, s0;
	[dreg:$0x6] =	wrdreg s23  }
0x12: {  	s17 =	smul.u32 $0x7D, s6;
	[dreg:$0xa] =	wrdreg s26;
	s24 =	sadd.s32 $0x67400, s0  }
0x13: {  	s6 =	sshll.u32 @!p0 s21, $0x6;
	s25 =	sadd.s32 $0x53A00, s0;
	[dreg:$0x7] =	wrdreg s24  }
0x14: {  	s23 =	sshrl.u32 @!p0 s20, $0x3;
	s0 =	sadd.s32 $0x7AE00, s0;
	[dreg:$0x8] =	wrdreg s25  }
0x15: {  	s26 =	simm.s32 $0xA0;
	s22 =	sor.u32 @!p0 $0x1C03, s6;
	[dreg:$0x9] =	wrdreg s0  }
0x16: {  	s24 =	simm.s32 $0x3;
	s25 =	simm.s32 $0x50;
	s0 =	simm.s32 $0x0  }
.LBB2_1:
0x17: {  	s6 =	rddreg [dreg:$0x6]  }
0x18: {  	[spmem:s23], [sflag:s22] =	dma.local @!p0 [hbm:s6], $0xFA0  }
0x19: {  	s6 =	simm.s32 @!p0 $0x3  }
0x1a: {  	_ =	swait.ge @!p0 [sflag:s6], $0xFA0  }
0x1b: {  	[sflag:s6] =	ssyncset.done @!p0 $0x0  }
0x1c: {  	[sflag:s6] =	ssyncadd.s32 @!p0 $0xFFFFF060  }
0x1d: {  	s6 =	simm.s32 $0x0;
	[bflag:$0x0] =	sbarrier.arrive $0xFFFF  }
.LBB2_2:
0x1e: {  	s18 =	sadd.s32 s17, s6  }
0x1f: {  	s18 =	smul.u32 $0xA, s18;
	_ =	sdelay $0x1  }
0x20: {  	s20 =	simm.s32 $0x0;
	s19 =	sadd.s32 s10, s18  }
0x21: {  	[tilespmem:s20], [sflag:$0x3] =	stream.linear.gather [hbm4b:s19+s20], $0x50, $0x38;
	[tilespmem:$0x76C0] =	vst v63  }
0x22: {  	_ =	swait.ge [sflag:s24], $0x50  }
0x23: {  	[sflag:s24] =	ssyncset.done $0x0  }
0x24: {  	s18 =	sadd.s32 s13, s18;
	[sflag:s24] =	ssyncadd.s32 $0xFFFFFFB0  }
0x25: {  	[tilespmem:s25], [sflag:$0x3] =	stream.linear.gather [hbm4b:s18+s20], $0x50, $0x38;
	[tilespmem:$0x76C0] =	vst v63  }
0x26: {  	_ =	swait.ge [sflag:s24], $0x50  }
0x27: {  	[sflag:s24] =	ssyncset.done $0x0  }
0x28: {  	[sflag:s24] =	ssyncadd.s32 $0xFFFFFFB0  }
0x29: {  	[tilespmem:s26], [sflag:$0x1] =	stream.indirect.gather [hbm4b:s1+s25], $0x20, s20, s25, $0xb8;
	[tilespmem:$0x76C0] =	vst v63  }
0x2a: {  	_ = 	snop  }
0x2b: {  	[tilespmem:s28], [sflag:$0x2] =	stream.indirect.gather [hbm4b:s7+s25], $0x40, s25, s25, $0xb8;
	[tilespmem:$0x76C0] =	vst v63  }
0x2c: {  	_ =	swait.ge [sflag:s29], $0xA00  }
0x2d: {  	[sflag:s29] =	ssyncset.done $0x0  }
0x2e: {  	[sflag:s29] =	ssyncadd.s32 $0xFFFFF600  }
0x2f: {  	_ =	swait.ge [sflag:s30], $0x1400  }
0x30: {  	[sflag:s30] =	ssyncset.done $0x0  }
0x31: {  	s18 =	simm.s32 $0x0;
	[sflag:s30] =	ssyncadd.s32 $0xFFFFEC00  }
0x32: {  	s19 =	simm.s32 $0xAC0;
	s20 =	simm.s32 $0x80;
	v0 =	vld [tilespmem:s18+$0xA0]  }
.LBB2_3:
0x33: {  	p1 =	sne.s32 s20, $0x2780;
	v1 =	vld [tilespmem:s19+$0xFFFFFFE0]  }
0x34: {  	v2 =	vld [tilespmem:s19+$0x0];
	_ =	sdelay $0x3  }
0x35: {  	v0 =	vadd.f32 v1, v0;
	_ =	sdelay $0x1  }
0x36: {  	v0 =	vsub.f32 $0.0e+00, v0;
	_ =	sdelay $0x1  }
0x37: {  	v0 =	vmul.f32 $1.442695020e+00, v0;
	_ =	sdelay $0x1  }
0x38: {  	(erf) = vpow2.f32 v0;
	_ =	sdelay $0x8  }
0x39: {  	v0 =	vpop (erf)  }
0x3a: {  	v0 =	vadd.f32 $1.000000000e+00, v0;
	_ =	sdelay $0x1  }
0x3b: {  	(erf) = vrcp.f32 v0;
	_ =	sdelay $0x8  }
0x3c: {  	v0 =	vpop (erf)  }
0x3d: {  	v0 =	vmul.f32 v0, v2;
	_ =	sdelay $0x1  }
0x3e: {  	[tilespmem:s18+$0x1EA0] =	vst v0;
	v0 =	vld [tilespmem:s18+$0xB0]  }
0x3f: {  	v1 =	vld [tilespmem:s19+$0xFFFFFFF0]  }
0x40: {  	v2 =	vld [tilespmem:s19+$0x10];
	_ =	sdelay $0x3  }
0x41: {  	v0 =	vadd.f32 v1, v0;
	_ =	sdelay $0x1  }
0x42: {  	v0 =	vsub.f32 $0.0e+00, v0;
	_ =	sdelay $0x1  }
0x43: {  	v0 =	vmul.f32 $1.442695020e+00, v0;
	_ =	sdelay $0x1  }
0x44: {  	(erf) = vpow2.f32 v0;
	_ =	sdelay $0x8  }
0x45: {  	v0 =	vpop (erf)  }
0x46: {  	v0 =	vadd.f32 $1.000000000e+00, v0;
	_ =	sdelay $0x1  }
0x47: {  	(erf) = vrcp.f32 v0;
	_ =	sdelay $0x7  }
.Ltmp0:
0x48: {  	(pc) =	sbr.rel @p1 .LBB2_3-.Ltmp0, $4  }
0x49: {  	v0 =	vpop (erf)  }
0x4a: {  	v1 =	vmul.f32 v0, v2  }
0x4b: {  	s21 =	sshra.s32 s20, $0x2  }
0x4c: {  	s20 =	sadd.s32 $0x80, s20;
	s19 =	sadd.s32 $0x40, s19;
	v0 =	vld [tilespmem:s21+$0xA0];
	[tilespmem:s18+$0x1EB0] =	vst v1;
	s18 =	smov.u32 s21  }
0x4d: {  	v1 =	vld [tilespmem:s19+$0xFFFFFFE0];
	_ =	sdelay $0x4  }
0x4e: {  	v0 =	vadd.f32 v1, v0;
	_ =	sdelay $0x1  }
0x4f: {  	v0 =	vsub.f32 $0.0e+00, v0;
	_ =	sdelay $0x1  }
0x50: {  	v0 =	vmul.f32 $1.442695020e+00, v0;
	_ =	sdelay $0x1  }
0x51: {  	(erf) = vpow2.f32 v0;
	_ =	sdelay $0x8  }
0x52: {  	v0 =	vpop (erf)  }
0x53: {  	v0 =	vadd.f32 $1.000000000e+00, v0;
	_ =	sdelay $0x1  }
0x54: {  	(erf) = vrcp.f32 v0;
	_ =	sdelay $0x4  }
0x55: {  	v58 =	vld [tilespmem:s19+$0x0];
	_ =	sdelay $0x3  }
0x56: {  	v59 =	vpop (erf)  }
0x57: {  	v0 =	vmul.f32 v59, v58;
	_ =	sdelay $0x1  }
0x58: {  	v60 =	vld [tilespmem:s18+$0xB0];
	[tilespmem:s18+$0x1EA0] =	vst v0  }
0x59: {  	v61 =	vld [tilespmem:s19+$0xFFFFFFF0];
	_ =	sdelay $0x4  }
0x5a: {  	v0 =	vadd.f32 v61, v60;
	_ =	sdelay $0x1  }
0x5b: {  	v0 =	vsub.f32 $0.0e+00, v0;
	_ =	sdelay $0x1  }
0x5c: {  	v0 =	vmul.f32 $1.442695020e+00, v0;
	_ =	sdelay $0x1  }
0x5d: {  	(erf) = vpow2.f32 v0;
	_ =	sdelay $0x8  }
0x5e: {  	v0 =	vpop (erf)  }
0x5f: {  	v0 =	vadd.f32 $1.000000000e+00, v0;
	_ =	sdelay $0x1  }
0x60: {  	(erf) = vrcp.f32 v0;
	_ =	sdelay $0x4  }
0x61: {  	v62 =	vld [tilespmem:s19+$0x10];
	_ =	sdelay $0x3  }
0x62: {  	v63 =	vpop (erf)  }
0x63: {  	s6 =	sadd.s32 $0x1, s6;
	v0 =	vmul.f32 v63, v62  }
0x64: {  	p1 =	sne.s32 s6, $0x7D  }
.Ltmp1:
0x65: {  	[tilespmem:s18+$0x1EB0] =	vst v0;
	(pc) =	sbr.rel @p1 .LBB2_2-.Ltmp1, $4  }
0x66: {  	[spmem:s4] =	stream.indirect.scatter.add.f32 [tilespmem:s31], [sflag:$0x3], $0x20, s5, s25, $0xb8;
	[tilespmem:$0x76C0] =	vst v63  }
0x67: {  	_ =	swait.ge [sflag:s24], $0xA00  }
0x68: {  	[sflag:s24] =	ssyncset.done $0x0  }
0x69: {  	[sflag:s24] =	ssyncadd.s32 $0xFFFFF600  }
0x6a: {  	[bflag:$0x0] =	sbarrier.arrive $0xFFFF  }
0x6b: {  	[bflag:$0x0] =	sbarrier.arrive @p0 $0xFFFF  }
0x6c: {  	s6 =	rddreg [dreg:$0x7]  }
0x6d: {  	[hbm:s6], [sflag:s22] =	dma.local @!p0 [spmem:s23], $0xFA0  }
0x6e: {  	s6 =	simm.s32 @!p0 $0x3  }
0x6f: {  	_ =	swait.ge @!p0 [sflag:s6], $0xFA0  }
0x70: {  	[sflag:s6] =	ssyncset.done @!p0 $0x0  }
0x71: {  	[sflag:s6] =	ssyncadd.s32 @!p0 $0xFFFFF060  }
0x72: {  	[bflag:$0x0] =	sbarrier.arrive @!p0 $0xFFFF  }
0x73: {  	s16 =	rddreg [dreg:$0x6]  }
0x74: {  	[spmem:s23], [sflag:s22] =	dma.local @!p0 [hbm:s16], $0xFA0  }
0x75: {  	_ =	swait.ge @!p0 [sflag:s6], $0xFA0  }
0x76: {  	[sflag:s6] =	ssyncset.done @!p0 $0x0  }
0x77: {  	[sflag:s6] =	ssyncadd.s32 @!p0 $0xFFFFF060  }
0x78: {  	s18 =	simm.s32 $0x0;
	s6 =	simm.s32 $0x0;
	[bflag:$0x0] =	sbarrier.arrive $0xFFFF  }
.LBB2_6:
0x79: {  	s19 =	sadd.s32 s17, s18  }
0x7a: {  	s19 =	smul.u32 $0xA, s19;
	_ =	sdelay $0x1  }
0x7b: {  	s20 =	sadd.s32 s11, s19  }
0x7c: {  	[tilespmem:s6], [sflag:$0x3] =	stream.linear.gather [hbm4b:s20+s6], $0x50, $0x38;
	[tilespmem:$0x76C0] =	vst v63  }
0x7d: {  	_ =	swait.ge [sflag:s24], $0x50  }
0x7e: {  	[sflag:s24] =	ssyncset.done $0x0  }
0x7f: {  	s19 =	sadd.s32 s14, s19;
	[sflag:s24] =	ssyncadd.s32 $0xFFFFFFB0  }
0x80: {  	[tilespmem:s25], [sflag:$0x3] =	stream.linear.gather [hbm4b:s19+s6], $0x50, $0x38;
	[tilespmem:$0x76C0] =	vst v63  }
0x81: {  	_ =	swait.ge [sflag:s24], $0x50  }
0x82: {  	[sflag:s24] =	ssyncset.done $0x0  }
0x83: {  	[sflag:s24] =	ssyncadd.s32 $0xFFFFFFB0  }
0x84: {  	[tilespmem:s26], [sflag:$0x1] =	stream.indirect.gather [hbm4b:s2+s25], $0x20, s6, s25, $0xb8;
	[tilespmem:$0x76C0] =	vst v63  }
0x85: {  	_ = 	snop  }
0x86: {  	[tilespmem:s28], [sflag:$0x2] =	stream.indirect.gather [hbm4b:s8+s25], $0x40, s25, s25, $0xb8;
	[tilespmem:$0x76C0] =	vst v63  }
0x87: {  	_ =	swait.ge [sflag:s29], $0xA00  }
0x88: {  	[sflag:s29] =	ssyncset.done $0x0  }
0x89: {  	[sflag:s29] =	ssyncadd.s32 $0xFFFFF600  }
0x8a: {  	_ =	swait.ge [sflag:s30], $0x1400  }
0x8b: {  	[sflag:s30] =	ssyncset.done $0x0  }
0x8c: {  	s19 =	simm.s32 $0x0;
	[sflag:s30] =	ssyncadd.s32 $0xFFFFEC00  }
0x8d: {  	s21 =	simm.s32 $0x80;
	s20 =	simm.s32 $0xAC0;
	v0 =	vld [tilespmem:s19+$0xA0]  }
.LBB2_7:
0x8e: {  	p1 =	sne.s32 s21, $0x2780;
	v1 =	vld [tilespmem:s20+$0xFFFFFFE0]  }
0x8f: {  	v2 =	vld [tilespmem:s20+$0x0];
	_ =	sdelay $0x3  }
0x90: {  	v0 =	vadd.f32 v1, v0;
	_ =	sdelay $0x1  }
0x91: {  	v0 =	vsub.f32 $0.0e+00, v0;
	_ =	sdelay $0x1  }
0x92: {  	v0 =	vmul.f32 $1.442695020e+00, v0;
	_ =	sdelay $0x1  }
0x93: {  	(erf) = vpow2.f32 v0;
	_ =	sdelay $0x8  }
0x94: {  	v0 =	vpop (erf)  }
0x95: {  	v0 =	vadd.f32 $1.000000000e+00, v0;
	_ =	sdelay $0x1  }
0x96: {  	(erf) = vrcp.f32 v0;
	_ =	sdelay $0x8  }
0x97: {  	v0 =	vpop (erf)  }
0x98: {  	v0 =	vmul.f32 v0, v2;
	_ =	sdelay $0x1  }
0x99: {  	[tilespmem:s19+$0x1EA0] =	vst v0;
	v0 =	vld [tilespmem:s19+$0xB0]  }
0x9a: {  	v1 =	vld [tilespmem:s20+$0xFFFFFFF0]  }
0x9b: {  	v2 =	vld [tilespmem:s20+$0x10];
	_ =	sdelay $0x3  }
0x9c: {  	v0 =	vadd.f32 v1, v0;
	_ =	sdelay $0x1  }
0x9d: {  	v0 =	vsub.f32 $0.0e+00, v0;
	_ =	sdelay $0x1  }
0x9e: {  	v0 =	vmul.f32 $1.442695020e+00, v0;
	_ =	sdelay $0x1  }
0x9f: {  	(erf) = vpow2.f32 v0;
	_ =	sdelay $0x8  }
0xa0: {  	v0 =	vpop (erf)  }
0xa1: {  	v0 =	vadd.f32 $1.000000000e+00, v0;
	_ =	sdelay $0x1  }
0xa2: {  	(erf) = vrcp.f32 v0;
	_ =	sdelay $0x7  }
.Ltmp2:
0xa3: {  	(pc) =	sbr.rel @p1 .LBB2_7-.Ltmp2, $4  }
0xa4: {  	v0 =	vpop (erf)  }
0xa5: {  	v1 =	vmul.f32 v0, v2  }
0xa6: {  	s16 =	sshra.s32 s21, $0x2  }
0xa7: {  	s21 =	sadd.s32 $0x80, s21;
	s20 =	sadd.s32 $0x40, s20;
	v0 =	vld [tilespmem:s16+$0xA0];
	[tilespmem:s19+$0x1EB0] =	vst v1;
	s19 =	smov.u32 s16  }
0xa8: {  	v1 =	vld [tilespmem:s20+$0xFFFFFFE0];
	_ =	sdelay $0x4  }
0xa9: {  	v0 =	vadd.f32 v1, v0;
	_ =	sdelay $0x1  }
0xaa: {  	v0 =	vsub.f32 $0.0e+00, v0;
	_ =	sdelay $0x1  }
0xab: {  	v0 =	vmul.f32 $1.442695020e+00, v0;
	_ =	sdelay $0x1  }
0xac: {  	(erf) = vpow2.f32 v0;
	_ =	sdelay $0x8  }
0xad: {  	v0 =	vpop (erf)  }
0xae: {  	v0 =	vadd.f32 $1.000000000e+00, v0;
	_ =	sdelay $0x1  }
0xaf: {  	(erf) = vrcp.f32 v0;
	_ =	sdelay $0x4  }
0xb0: {  	v58 =	vld [tilespmem:s20+$0x0];
	_ =	sdelay $0x3  }
0xb1: {  	v59 =	vpop (erf)  }
0xb2: {  	v0 =	vmul.f32 v59, v58;
	_ =	sdelay $0x1  }
0xb3: {  	v60 =	vld [tilespmem:s19+$0xB0];
	[tilespmem:s19+$0x1EA0] =	vst v0  }
0xb4: {  	v61 =	vld [tilespmem:s20+$0xFFFFFFF0];
	_ =	sdelay $0x4  }
0xb5: {  	v0 =	vadd.f32 v61, v60;
	_ =	sdelay $0x1  }
0xb6: {  	v0 =	vsub.f32 $0.0e+00, v0;
	_ =	sdelay $0x1  }
0xb7: {  	v0 =	vmul.f32 $1.442695020e+00, v0;
	_ =	sdelay $0x1  }
0xb8: {  	(erf) = vpow2.f32 v0;
	_ =	sdelay $0x8  }
0xb9: {  	v0 =	vpop (erf)  }
0xba: {  	v0 =	vadd.f32 $1.000000000e+00, v0;
	_ =	sdelay $0x1  }
0xbb: {  	(erf) = vrcp.f32 v0;
	_ =	sdelay $0x4  }
0xbc: {  	v62 =	vld [tilespmem:s20+$0x10];
	_ =	sdelay $0x3  }
0xbd: {  	v63 =	vpop (erf)  }
0xbe: {  	s18 =	sadd.s32 $0x1, s18;
	v0 =	vmul.f32 v63, v62  }
0xbf: {  	p1 =	sne.s32 s18, $0x7D  }
.Ltmp3:
0xc0: {  	[tilespmem:s19+$0x1EB0] =	vst v0;
	(pc) =	sbr.rel @p1 .LBB2_6-.Ltmp3, $4  }
0xc1: {  	[spmem:s4] =	stream.indirect.scatter.add.f32 [tilespmem:s31], [sflag:$0x3], $0x20, s5, s25, $0xb8;
	[tilespmem:$0x76C0] =	vst v63  }
0xc2: {  	_ =	swait.ge [sflag:s24], $0xA00  }
0xc3: {  	[sflag:s24] =	ssyncset.done $0x0  }
0xc4: {  	[sflag:s24] =	ssyncadd.s32 $0xFFFFF600  }
0xc5: {  	[bflag:$0x0] =	sbarrier.arrive $0xFFFF  }
0xc6: {  	[bflag:$0x0] =	sbarrier.arrive @p0 $0xFFFF  }
0xc7: {  	s6 =	rddreg [dreg:$0x8]  }
0xc8: {  	[hbm:s6], [sflag:s22] =	dma.local @!p0 [spmem:s23], $0xFA0  }
0xc9: {  	s6 =	simm.s32 @!p0 $0x3  }
0xca: {  	_ =	swait.ge @!p0 [sflag:s6], $0xFA0  }
0xcb: {  	[sflag:s6] =	ssyncset.done @!p0 $0x0  }
0xcc: {  	[sflag:s6] =	ssyncadd.s32 @!p0 $0xFFFFF060  }
0xcd: {  	[bflag:$0x0] =	sbarrier.arrive @!p0 $0xFFFF  }
0xce: {  	s16 =	rddreg [dreg:$0x6]  }
0xcf: {  	[spmem:s23], [sflag:s22] =	dma.local @!p0 [hbm:s16], $0xFA0  }
0xd0: {  	_ =	swait.ge @!p0 [sflag:s6], $0xFA0  }
0xd1: {  	[sflag:s6] =	ssyncset.done @!p0 $0x0  }
0xd2: {  	[sflag:s6] =	ssyncadd.s32 @!p0 $0xFFFFF060  }
0xd3: {  	s18 =	simm.s32 $0x0;
	s6 =	simm.s32 $0x0;
	[bflag:$0x0] =	sbarrier.arrive $0xFFFF  }
.LBB2_10:
0xd4: {  	s16 =	sadd.s32 s17, s18  }
0xd5: {  	s16 =	smul.u32 $0xA, s16;
	_ =	sdelay $0x1  }
0xd6: {  	s19 =	sadd.s32 s12, s16  }
0xd7: {  	[tilespmem:s6], [sflag:$0x3] =	stream.linear.gather [hbm4b:s19+s6], $0x50, $0x38;
	[tilespmem:$0x76C0] =	vst v63  }
0xd8: {  	_ =	swait.ge [sflag:s24], $0x50  }
0xd9: {  	[sflag:s24] =	ssyncset.done $0x0  }
0xda: {  	s16 =	sadd.s32 s15, s16;
	[sflag:s24] =	ssyncadd.s32 $0xFFFFFFB0  }
0xdb: {  	[tilespmem:s25], [sflag:$0x3] =	stream.linear.gather [hbm4b:s16+s6], $0x50, $0x38;
	[tilespmem:$0x76C0] =	vst v63  }
0xdc: {  	_ =	swait.ge [sflag:s24], $0x50  }
0xdd: {  	[sflag:s24] =	ssyncset.done $0x0  }
0xde: {  	[sflag:s24] =	ssyncadd.s32 $0xFFFFFFB0  }
0xdf: {  	[tilespmem:s26], [sflag:$0x1] =	stream.indirect.gather [hbm4b:s3+s25], $0x20, s6, s25, $0xb8;
	[tilespmem:$0x76C0] =	vst v63  }
0xe0: {  	_ = 	snop  }
0xe1: {  	[tilespmem:s28], [sflag:$0x2] =	stream.indirect.gather [hbm4b:s9+s25], $0x40, s25, s25, $0xb8;
	[tilespmem:$0x76C0] =	vst v63  }
0xe2: {  	_ =	swait.ge [sflag:s29], $0xA00  }
0xe3: {  	[sflag:s29] =	ssyncset.done $0x0  }
0xe4: {  	[sflag:s29] =	ssyncadd.s32 $0xFFFFF600  }
0xe5: {  	_ =	swait.ge [sflag:s30], $0x1400  }
0xe6: {  	[sflag:s30] =	ssyncset.done $0x0  }
0xe7: {  	s19 =	simm.s32 $0x0;
	[sflag:s30] =	ssyncadd.s32 $0xFFFFEC00  }
0xe8: {  	s20 =	simm.s32 $0xAC0;
	s21 =	simm.s32 $0x80;
	v0 =	vld [tilespmem:s19+$0xA0]  }
.LBB2_11:
0xe9: {  	p1 =	sne.s32 s21, $0x2780;
	v1 =	vld [tilespmem:s20+$0xFFFFFFE0]  }
0xea: {  	v2 =	vld [tilespmem:s20+$0x0];
	_ =	sdelay $0x3  }
0xeb: {  	v0 =	vadd.f32 v1, v0;
	_ =	sdelay $0x1  }
0xec: {  	v0 =	vsub.f32 $0.0e+00, v0;
	_ =	sdelay $0x1  }
0xed: {  	v0 =	vmul.f32 $1.442695020e+00, v0;
	_ =	sdelay $0x1  }
0xee: {  	(erf) = vpow2.f32 v0;
	_ =	sdelay $0x8  }
0xef: {  	v0 =	vpop (erf)  }
0xf0: {  	v0 =	vadd.f32 $1.000000000e+00, v0;
	_ =	sdelay $0x1  }
0xf1: {  	(erf) = vrcp.f32 v0;
	_ =	sdelay $0x8  }
0xf2: {  	v0 =	vpop (erf)  }
0xf3: {  	v0 =	vmul.f32 v0, v2;
	_ =	sdelay $0x1  }
0xf4: {  	[tilespmem:s19+$0x1EA0] =	vst v0;
	v0 =	vld [tilespmem:s19+$0xB0]  }
0xf5: {  	v1 =	vld [tilespmem:s20+$0xFFFFFFF0]  }
0xf6: {  	v2 =	vld [tilespmem:s20+$0x10];
	_ =	sdelay $0x3  }
0xf7: {  	v0 =	vadd.f32 v1, v0;
	_ =	sdelay $0x1  }
0xf8: {  	v0 =	vsub.f32 $0.0e+00, v0;
	_ =	sdelay $0x1  }
0xf9: {  	v0 =	vmul.f32 $1.442695020e+00, v0;
	_ =	sdelay $0x1  }
0xfa: {  	(erf) = vpow2.f32 v0;
	_ =	sdelay $0x8  }
0xfb: {  	v0 =	vpop (erf)  }
0xfc: {  	v0 =	vadd.f32 $1.000000000e+00, v0;
	_ =	sdelay $0x1  }
0xfd: {  	(erf) = vrcp.f32 v0;
	_ =	sdelay $0x7  }
.Ltmp4:
0xfe: {  	(pc) =	sbr.rel @p1 .LBB2_11-.Ltmp4, $4  }
0xff: {  	v0 =	vpop (erf)  }
0x100: {  	v1 =	vmul.f32 v0, v2  }
0x101: {  	s16 =	sshra.s32 s21, $0x2  }
0x102: {  	s21 =	sadd.s32 $0x80, s21;
	s20 =	sadd.s32 $0x40, s20;
	v0 =	vld [tilespmem:s16+$0xA0];
	[tilespmem:s19+$0x1EB0] =	vst v1;
	s19 =	smov.u32 s16  }
0x103: {  	v1 =	vld [tilespmem:s20+$0xFFFFFFE0];
	_ =	sdelay $0x4  }
0x104: {  	v0 =	vadd.f32 v1, v0;
	_ =	sdelay $0x1  }
0x105: {  	v0 =	vsub.f32 $0.0e+00, v0;
	_ =	sdelay $0x1  }
0x106: {  	v0 =	vmul.f32 $1.442695020e+00, v0;
	_ =	sdelay $0x1  }
0x107: {  	(erf) = vpow2.f32 v0;
	_ =	sdelay $0x8  }
0x108: {  	v0 =	vpop (erf)  }
0x109: {  	v0 =	vadd.f32 $1.000000000e+00, v0;
	_ =	sdelay $0x1  }
0x10a: {  	(erf) = vrcp.f32 v0;
	_ =	sdelay $0x4  }
0x10b: {  	v58 =	vld [tilespmem:s20+$0x0];
	_ =	sdelay $0x3  }
0x10c: {  	v59 =	vpop (erf)  }
0x10d: {  	v0 =	vmul.f32 v59, v58;
	_ =	sdelay $0x1  }
0x10e: {  	v60 =	vld [tilespmem:s19+$0xB0];
	[tilespmem:s19+$0x1EA0] =	vst v0  }
0x10f: {  	v61 =	vld [tilespmem:s20+$0xFFFFFFF0];
	_ =	sdelay $0x4  }
0x110: {  	v0 =	vadd.f32 v61, v60;
	_ =	sdelay $0x1  }
0x111: {  	v0 =	vsub.f32 $0.0e+00, v0;
	_ =	sdelay $0x1  }
0x112: {  	v0 =	vmul.f32 $1.442695020e+00, v0;
	_ =	sdelay $0x1  }
0x113: {  	(erf) = vpow2.f32 v0;
	_ =	sdelay $0x8  }
0x114: {  	v0 =	vpop (erf)  }
0x115: {  	v0 =	vadd.f32 $1.000000000e+00, v0;
	_ =	sdelay $0x1  }
0x116: {  	(erf) = vrcp.f32 v0;
	_ =	sdelay $0x4  }
0x117: {  	v62 =	vld [tilespmem:s20+$0x10];
	_ =	sdelay $0x3  }
0x118: {  	v63 =	vpop (erf)  }
0x119: {  	s18 =	sadd.s32 $0x1, s18;
	v0 =	vmul.f32 v63, v62  }
0x11a: {  	p1 =	sne.s32 s18, $0x7D  }
.Ltmp5:
0x11b: {  	[tilespmem:s19+$0x1EB0] =	vst v0;
	(pc) =	sbr.rel @p1 .LBB2_10-.Ltmp5, $4  }
0x11c: {  	[spmem:s4] =	stream.indirect.scatter.add.f32 [tilespmem:s31], [sflag:$0x3], $0x20, s5, s25, $0xb8;
	[tilespmem:$0x76C0] =	vst v63  }
0x11d: {  	_ =	swait.ge [sflag:s24], $0xA00  }
0x11e: {  	[sflag:s24] =	ssyncset.done $0x0  }
0x11f: {  	[sflag:s24] =	ssyncadd.s32 $0xFFFFF600  }
0x120: {  	[bflag:$0x0] =	sbarrier.arrive $0xFFFF  }
0x121: {  	s6 =	rddreg [dreg:$0x9]  }
0x122: {  	[hbm:s6], [sflag:s22] =	dma.local @!p0 [spmem:s23], $0xFA0  }
0x123: {  	s6 =	simm.s32 @!p0 $0x3  }
0x124: {  	_ =	swait.ge @!p0 [sflag:s6], $0xFA0  }
0x125: {  	s0 =	sadd.s32 $0x1, s0;
	s21 =	rddreg [dreg:$0xa]  }
0x126: {  	p1 =	sne.s32 s0, s21  }
.Ltmp6:
0x127: {  	_ = 	snop;
	(pc) =	sbr.rel @p1 .LBB2_1-.Ltmp6, $3  }
0x128: {  	[sflag:s6] =	ssyncset.done @!p0 $0x0  }
0x129: {  	[sflag:s6] =	ssyncadd.s32 @!p0 $0xFFFFF060  }
0x12a: {  	[bflag:$0x0] =	sbarrier.arrive $0xFFFF;
	_ =	sdelay $0x1  }
0x12b: {  	_ =	sfence.sel $0x180000  }
0x12c: {  	[bflag:$0x0] =	sbarrier.arrive $0xFFFF  }
0x12d: {  	_ =	strace $0x9000004A  }
0x12e: {  	s0 =	stileid.u32;
	[bflag:$0x2] =	sbarrier.arrive $0xFFFF  }
0x12f: {  	p0 =	sne.s32 s0, $0x0;
	s0 =	rddreg [dreg:$0x5]  }
0x130: {  	s0 =	sadd.s32 @!p0 $0x100000, s0  }
0x131: {  	[sflag:s0] =	ssyncadd.tile.s32 @!p0 $0x1;
	_ =	shalt  }
.Lfunc_end2:
_tile_overlayer_lowered:
.L_overlay_start_2:
0x132: {  	(tag) =	ssettag $0x2  }
0x133: {  	s0 =	rddreg [dreg:$0x0];
	s2 =	stileid.u32  }
0x134: {  	s1 =	rddreg [dreg:$0x1];
	p0 =	sne.s32 s2, $0x0  }
0x135: {  	s3 =	rddreg [dreg:$0x2];
	[bflag:$0x3] =	sbarrier.arrive $0xFFFF;
	s2 =	simm.s32 @!p0 $0x1C03  }
0x136: {  	[timem:s3], [sflag:s2] =	dma.local @!p0 [hbm:s0], s1  }
0x137: {  	s0 =	simm.s32 @!p0 $0x3  }
0x138: {  	_ =	swait.ge @!p0 [sflag:s0], s1  }
0x139: {  	s1 =	ssub.s32 @!p0 $0x0, s1;
	[sflag:s0] =	ssyncset.done @!p0 $0x0  }
0x13a: {  	[sflag:s0] =	ssyncadd.s32 @!p0 s1  }
0x13b: {  	[bflag:$0x3] =	sbarrier.arrive $0xFFFF  }
0x13c: {  	_ =	shalt  }

// kernel: kernel.7.cloned.1.call-start
scs
__scs_entry_jumppad:
0x0: {  	(pc) =	sbr.rel $0x88, $3  }
0x1: {  	(tag) =	ssettag $0x0;
	lr =	simm.s32 $0x1  }
0x2: {  	[smem:$0x3F91] =	sst lr;
	_ =	strace $0xD0000000  }
0x3: {  	_ = 	snop  }
0x4: {  	_ = 	snop  }
0x5: {  	_ = 	snop  }
0x6: {  	_ = 	snop  }
0x7: {  	_ = 	snop  }
__scs_overlays_trampoline_lowered:
0x8: {  	[smem:$0x3FA0] =	sst s0  }
0x9: {  	[smem:$0x3FA1] =	sst s1  }
0xa: {  	[smem:$0x3FA2] =	sst s2  }
0xb: {  	[smem:$0x3FA3] =	sst s3  }
0xc: {  	[smem:$0x3FA4] =	sst s4  }
0xd: {  	[smem:$0x3FA5] =	sst s5  }
0xe: {  	[smem:$0x3FA6] =	sst s6  }
0xf: {  	[smem:$0x3FA7] =	sst s7  }
0x10: {  	[smem:$0x3FA8] =	sst s8  }
0x11: {  	[smem:$0x3FA9] =	sst s9;
	s0 =	simm.s32 @!p0 $0x0  }
0x12: {  	s1 =	sld [smem:$0x3F8F];
	s0 =	simm.s32 @p0 $0x1  }
0x13: {  	[smem:$0x3FAA] =	sst s0;
	s0 =	simm.s32 @!p1 $0x0  }
0x14: {  	s2 =	sld [smem:$0x3F8E];
	s0 =	simm.s32 @p1 $0x1  }
0x15: {  	[smem:$0x3FAB] =	sst s0;
	s0 =	simm.s32 @!p2 $0x0  }
0x16: {  	s3 =	sld [smem:$0x3FDB];
	s0 =	simm.s32 @p2 $0x1  }
0x17: {  	s4 =	simm.s32 $0x1BF5;
	[smem:$0x3FAD] =	sst s0  }
0x18: {  	s0 =	sld [smem:$0x3F90];
	_ =	swait.ge [sflag:s4], $0x0  }
0x19: {  	s7 =	sld [smem:$0x3F91]  }
0x1a: {  	s8 =	sadd.s32 $0xFFFFE003, lr  }
0x1b: {  	s9 =	sadd.s32 $0xFFFFFEF7, lr;
	s5 =	simm.s32 $0xFFFFFFFF;
	p2 =	slt.u32 s8, $0xFFFFF086  }
0x1c: {  	p1 =	slt.u32 s9, $0xF7A;
	s5 =	simm.s32 @!p2 $0x0  }
0x1d: {  	s5 =	simm.s32 @p1 $0x1;
	p0 =	seq.s32 s7, s2  }
0x1e: {  	s7 =	smul.u32 @!p0 $0xF7A, s2;
	p2 =	seq.s32 @!p0 s5, $0x0  }
0x1f: {  	s9 =	smul.u32 $0xF7A, s1;
	s8 =	simm.s32 @!p0 $0x1BF5;
	p2 =	por !p2, p0  }
0x20: {  	[sflag:s8] =	ssyncset.s32 @!p0 $0xFFFFF086;
	s6 =	sadd.s32 @!p0 s3, s7;
	s7 =	simm.s32 @!p0 $0x108  }
0x21: {  	s3 =	sadd.s32 s3, s9;
	s6 =	sadd.s32 @!p0 $0x88, s6;
	s7 =	simm.s32 @p2 $0x1082  }
0x22: {  	[simem:s7], [sflag:s8] =	dma.local @!p0 [hbm:s6], $0xF7A  }
0x23: {  	s9 =	sor.u32 $0xD0000000, s2;
	s6 =	simm.s32 $0x108;
	_ =	swait.ge @!p0 [sflag:s8], $0x0  }
0x24: {  	s3 =	sadd.s32 $0x88, s3;
	s6 =	simm.s32 @!p1 $0x1082;
	[sflag:s4] =	ssyncset.s32 $0xFFFFF086  }
0x25: {  	[simem:s6], [sflag:s4] =	dma.local [hbm:s3], $0xF7A  }
0x26: {  	[smem:$0x3F91] =	sst s1;
	(tag) =	ssettag s2;
	_ =	strace s9  }
0x27: {  	s1 =	sld [smem:$0x3FA1]  }
0x28: {  	s2 =	sld [smem:$0x3FA2]  }
0x29: {  	s4 =	sld [smem:$0x3FA4]  }
0x2a: {  	p0 =	seq.s32 s5, $0x0;
	s5 =	sld [smem:$0x3FA5]  }
0x2b: {  	s6 =	sld [smem:$0x3FA6]  }
0x2c: {  	s7 =	sld [smem:$0x3FA7]  }
0x2d: {  	s3 =	simm.s32 $0x108;
	s8 =	sld [smem:$0x3FA8]  }
0x2e: {  	s3 =	simm.s32 @!p0 $0x1082;
	s9 =	sld [smem:$0x3FA9]  }
0x2f: {  	lr =	sadd.s32 s0, s3;
	s0 =	sld [smem:$0x3FA0]  }
0x30: {  	s3 =	sld [smem:$0x3FA3]  }
0x31: {  	[smem:$0x3FAC] =	sst s10  }
0x32: {  	s10 =	sld [smem:$0x3FAA];
	_ =	sdelay $0x3  }
0x33: {  	p0 =	seq.s32 s10, $0x1;
	s10 =	sld [smem:$0x3FAC];
	_ =	sdelay $0x3  }
0x34: {  	[smem:$0x3FAC] =	sst s10  }
0x35: {  	s10 =	sld [smem:$0x3FAB];
	_ =	sdelay $0x3  }
0x36: {  	p1 =	seq.s32 s10, $0x1;
	s10 =	sld [smem:$0x3FAC];
	_ =	sdelay $0x3  }
0x37: {  	[smem:$0x3FAC] =	sst s10  }
0x38: {  	s10 =	sld [smem:$0x3FAD]  }
0x39: {  	_ = 	snop;
	(pc) =	sbr.ind lr, $3  }
0x3a: {  	_ = 	snop  }
0x3b: {  	_ = 	snop  }
0x3c: {  	p2 =	seq.s32 s10, $0x1;
	s10 =	sld [smem:$0x3FAC]  }
0x3d: {  	_ =	shalt  }
0x3e: {  	_ =	shalt  }
0x3f: {  	_ =	shalt  }
0x40: {  	_ =	shalt  }
0x41: {  	_ =	shalt  }
0x42: {  	_ =	shalt  }
0x43: {  	_ =	shalt  }
0x44: {  	_ =	shalt  }
0x45: {  	_ =	shalt  }
0x46: {  	_ =	shalt  }
0x47: {  	_ =	shalt  }
0x48: {  	_ =	shalt  }
0x49: {  	_ =	shalt  }
0x4a: {  	_ =	shalt  }
0x4b: {  	_ =	shalt  }
0x4c: {  	_ =	shalt  }
0x4d: {  	_ =	shalt  }
0x4e: {  	_ =	shalt  }
0x4f: {  	_ =	shalt  }
0x50: {  	_ =	shalt  }
0x51: {  	_ =	shalt  }
0x52: {  	_ =	shalt  }
0x53: {  	_ =	shalt  }
0x54: {  	_ =	shalt  }
0x55: {  	_ =	shalt  }
0x56: {  	_ =	shalt  }
0x57: {  	_ =	shalt  }
0x58: {  	_ =	shalt  }
0x59: {  	_ =	shalt  }
0x5a: {  	_ =	shalt  }
0x5b: {  	_ =	shalt  }
0x5c: {  	_ =	shalt  }
0x5d: {  	_ =	shalt  }
0x5e: {  	_ =	shalt  }
0x5f: {  	_ =	shalt  }
0x60: {  	_ =	shalt  }
0x61: {  	_ =	shalt  }
0x62: {  	_ =	shalt  }
0x63: {  	_ =	shalt  }
0x64: {  	_ =	shalt  }
0x65: {  	_ =	shalt  }
0x66: {  	_ =	shalt  }
0x67: {  	_ =	shalt  }
0x68: {  	_ =	shalt  }
0x69: {  	_ =	shalt  }
0x6a: {  	_ =	shalt  }
0x6b: {  	_ =	shalt  }
0x6c: {  	_ =	shalt  }
0x6d: {  	_ =	shalt  }
0x6e: {  	_ =	shalt  }
0x6f: {  	_ =	shalt  }
0x70: {  	_ =	shalt  }
0x71: {  	_ =	shalt  }
0x72: {  	_ =	shalt  }
0x73: {  	_ =	shalt  }
0x74: {  	_ =	shalt  }
0x75: {  	_ =	shalt  }
0x76: {  	_ =	shalt  }
0x77: {  	_ =	shalt  }
0x78: {  	_ =	shalt  }
0x79: {  	_ =	shalt  }
0x7a: {  	_ =	shalt  }
0x7b: {  	_ =	shalt  }
0x7c: {  	_ =	shalt  }
0x7d: {  	_ =	shalt  }
0x7e: {  	_ =	shalt  }
0x7f: {  	_ =	shalt  }
0x80: {  	_ =	shalt  }
0x81: {  	_ =	shalt  }
0x82: {  	_ =	shalt  }
0x83: {  	_ =	shalt  }
0x84: {  	_ =	shalt  }
0x85: {  	_ =	shalt  }
0x86: {  	_ =	shalt  }
0x87: {  	_ =	shalt  }
.Lfunc_end0:
.L_simem_size_0:
called_computation_lowered:
.L_overlay_start_0:
0x88: {  	s2 =	sld [smem:$0x3FD9]  }
0x89: {  	s3 =	sld [smem:$0x3FFE];
	_ =	sdelay $0x1  }
0x8a: {  	s1 =	srdreg.scid  }
0x8b: {  	s0 =	sand.u32 $0x1, s1  }
0x8c: {  	s16 =	sshll.u32 s0, $0xA;
	s2 =	sadd.s32 s3, s2  }
0x8d: {  	s2 =	sadd.s32 s2, s16  }
0x8e: {  	[smem:$0x3FB8] =	sst s2  }
0x8f: {  	_ = 	snop  }
0x90: {  	(tm) =	ssettm $0x1  }
0x91: {  	s17 =	sld [smem:$0x3FFB];
	_ =	sdelay $0x3  }
0x92: {  	_ =	strace s17  }
0x93: {  	s2 =	sld [smem:$0x3FFC];
	_ =	sdelay $0x3  }
0x94: {  	_ =	strace s2  }
0x95: {  	s2 =	sld [smem:$0x3FFD];
	_ =	sdelay $0x3  }
0x96: {  	_ =	strace s2  }
0x97: {  	_ =	strace $0x8FFFFFFF  }
0x98: {  	s18 =	sld [smem:$0x3FDB];
	_ =	sdelay $0x1  }
0x99: {  	s19 =	simm.s32 $_scs_section_size  }
0x9a: {  	s4 =	simm.s32 $_size__tile_overlayer_lowered;
	s5 =	simm.s32 $_tile_overlayer_lowered  }
0x9b: {  	s22 =	simm.s32 $0x1BFF;
	s21 =	sshll.u32 s5, $0x1;
	s2 =	sadd.s32 s19, s18  }
0x9c: {  	s6 =	simm.s32 $0x0;
	s20 =	sshll.u32 s4, $0x1;
	s4 =	sadd.s32 s21, s2  }
0x9d: {  	[timem:s6], [sflag:s22] =	dma.local [hbm:s4], s20  }
0x9e: {  	_ =	swait.ge [sflag:s22], s20  }
0x9f: {  	s3 =	ssub.s32 $0x0, s20;
	[sflag:s22] =	ssyncset.done $0x0  }
0xa0: {  	[sflag:s22] =	ssyncadd.s32 s3;
	_ =	sdelay $0x1  }
0xa1: {  	s23 =	simm.s32 $0x1B8B  }
0xa2: {  	_ =	swait.ge [sflag:s23], $0x1  }
0xa3: {  	[sflag:s23] =	ssyncset.done $0x0  }
0xa4: {  	s25 =	simm.s32 $0x1B8E;
	s24 =	sld [smem:$0x3FFE];
	[sflag:s23] =	ssyncadd.s32 $0xFFFFFFFF  }
0xa5: {  	s26 =	simm.s32 $execute0_lowered;
	[smem:$0x3FD2] =	sst s25  }
0xa6: {  	s4 =	sshll.u32 s26, $0x1;
	_ =	strace $0x80000046;
	[dreg:$0x1] =	wrdreg $0xFFFFFFFF  }
0xa7: {  	s28 =	simm.s32 $_size_execute0_lowered;
	s2 =	sadd.s32 s2, s4;
	[dreg:$0x0] =	wrdreg $0x0  }
0xa8: {  	s4 =	sshll.u32 s28, $0x1;
	[dreg:$0x2] =	wrdreg s2  }
0xa9: {  	[dreg:$0x3] =	wrdreg s4  }
0xaa: {  	[dreg:$0x4] =	wrdreg $0xC0  }
0xab: {  	_ =	task [dreg:s6], $0x5FFFF  }
0xac: {  	[dreg:$0x1] =	wrdreg $0xFFFFFFFF  }
0xad: {  	[dreg:$0x0] =	wrdreg $0x60  }
0xae: {  	[dreg:$0x2] =	wrdreg s24  }
0xaf: {  	[dreg:$0x3] =	wrdreg $0x7FD00  }
0xb0: {  	[dreg:$0x4] =	wrdreg $0x9  }
0xb1: {  	_ =	task.clear_ibuf [dreg:s6], $0x5FFFF;
	_ =	strace $0x90000046  }
0xb2: {  	s29 =	simm.s32 $0x9;
	_ =	strace $0x80000048  }
0xb3: {  	_ =	swait.ge [sflag:s29], $0x1  }
0xb4: {  	[sflag:s29] =	ssyncadd.s32 $0xFFFFFFFF  }
0xb5: {  	_ =	strace $0x90000048  }
0xb6: {  	_ =	sfence  }
0xb7: {  	s30 =	sld [smem:$0x0];
	_ =	sdelay $0x2  }
0xb8: {  	s31 =	sshll.u32 s1, $0xD;
	s1 =	sshrl.u32 s1, $0x2  }
0xb9: {  	s3 =	sand.u32 $0x4000, s31;
	s1 =	sadd.s32 s1, s30  }
0xba: {  	s0 =	sor.u32 s3, s0;
	s1 =	sshll.u32 s1, $0x11  }
0xbb: {  	s0 =	sor.u32 s1, s0  }
0xbc: {  	s0 =	sadd.s32 $0x8F2B, s0  }
0xbd: {  	[sflag:s0] =	ssyncadd.remote.s32 $0x1  }
0xbe: {  	_ =	sfence.sel $0xFFFF  }
0xbf: {  	[dreg:$0x0] =	wrdreg $0xFFFFFFFF;
	(pc) =	sbr.abs _section_cstart, $3  }
0xc0: {  	[dreg:$0x1] =	wrdreg $0xFFFFFFFF  }
0xc1: {  	_ =	task.clear_ibuf [dreg:s6], $0x2FFFF;
	_ =	strace $0x9FFFFFFF  }
0xc2: {  	(tm) =	ssettm $0x7FFFFFFF  }
0xc3: {  	_ =	shalt  }
tec
execute0_lowered:
.L_overlay_start_1:
0x0: {  	(tag) =	ssettag $0x1  }
0x1: {  	s8 =	rddreg [dreg:$0x0]  }
0x2: {  	s1 =	rddreg [dreg:$0x1]  }
0x3: {  	s0 =	rddreg [dreg:$0x2];
	s3 =	simm.s32 $0x0  }
0x4: {  	s4 =	srdreg.scid;
	s2 =	stileid.u32;
	s20 =	simm.s32 $0xAA0  }
0x5: {  	s21 =	simm.s32 $0x2;
	s22 =	simm.s32 $0x50;
	s23 =	simm.s32 $0xA0  }
0x6: {  	s24 =	simm.s32 $0x1;
	s25 =	simm.s32 $0x0;
	[smem:$0x7FF] =	sst s3  }
0x7: {  	s9 =	sand.u32 $0x1, s4;
	s10 =	smul.u32 $0x7D00, s2;
	s4 =	sadd.s32 $0xA1C00, s8  }
0x8: {  	s5 =	sadd.s32 $0xABA00, s8;
	s6 =	sadd.s32 $0xB5800, s8;
	s16 =	smul.u32 $0x4E2, s2  }
0x9: {  	p0 =	sgt.u32 s2, $0x9;
	_ =	strace $0x80000047;
	s7 =	smul.u32 $0x4E20, s9  }
0xa: {  	s12 =	smul.u32 $0x4E200, s9;
	s14 =	sshll.u32 s9, $0x4;
	s9 =	ssub.s32 $0x2, s9  }
0xb: {  	s18 =	sshll.u32 @!p0 s2, $0x6;
	s11 =	sshrl.u32 s10, $0x3;
	s14 =	sor.u32 s2, s14  }
0xc: {  	s15 =	sshrl.u32 s9, $0x1;
	s19 =	sadd.s32 s10, s1;
	s18 =	sor.u32 @!p0 $0x1C02, s18  }
0xd: {  	s13 =	sadd.s32 s7, s8;
	s11 =	sadd.s32 s11, s8;
	s7 =	sadd.s32 $0xBF600, s8  }
0xe: {  	s12 =	sadd.s32 s10, s12;
	s14 =	smul.u32 $0xEA6, s14;
	s15 =	ssub.s32 s9, s15  }
0xf: {  	s19 =	sshrl.u32 @!p0 s19, $0x3;
	s12 =	sshrl.u32 s12, $0x3;
	s17 =	sadd.s32 s16, s13  }
0x10: {  	s12 =	sadd.s32 s12, s8;
	s14 =	sadd.s32 s14, s8;
	s8 =	sadd.s32 $0xC0600, s11  }
0x11: {  	s11 =	smax.u32 s15, $0x1;
	s13 =	sadd.s32 $0x4A00, s17;
	s15 =	sadd.s32 $0x2C200, s17  }
0x12: {  	s16 =	sadd.s32 $0x22400, s17;
	s9 =	sadd.s32 $0xCA400, s12;
	s10 =	sadd.s32 $0xDDE00, s14  }
0x13: {  	v0 =	vimm.f32 $1.000000000e+00;
	s12 =	sadd.s32 $0xE800, s17;
	s14 =	sadd.s32 $0x2C400, s17;
	s17 =	sadd.s32 $0x18600, s17  }
.LBB2_1:
0x14: {  	[spmem:s19], [sflag:s18] =	dma.local @!p0 [hbm:s8], $0xFA0  }
0x15: {  	s26 =	simm.s32 @!p0 $0x2  }
0x16: {  	_ =	swait.ge @!p0 [sflag:s26], $0xFA0  }
0x17: {  	[sflag:s26] =	ssyncset.done @!p0 $0x0  }
0x18: {  	[sflag:s26] =	ssyncadd.s32 @!p0 $0xFFFFF060  }
0x19: {  	[tilespmem:s20], [sflag:$0x2] =	stream.linear.gather [hbm4b:s7+s3], $0x7530, $0x38;
	[tilespmem:$0xCDF0] =	vst v63  }
0x1a: {  	_ =	swait.ge [sflag:s21], $0x7530  }
0x1b: {  	[sflag:s21] =	ssyncset.done $0x0  }
0x1c: {  	[sflag:s21] =	ssyncadd.s32 $0xFFFF8AD0  }
0x1d: {  	s28 =	simm.s32 $0x0;
	[bflag:$0x0] =	sbarrier.arrive $0xFFFF  }
.LBB2_2:
0x1e: {  	s29 =	sadd.s32 s28, s12;
	s26 =	simm.s32 $0x0  }
0x1f: {  	[tilespmem:s26], [sflag:$0x2] =	stream.linear.gather [hbm4b:s29+s26], $0x50, $0x38;
	[tilespmem:$0xCDF0] =	vst v63  }
0x20: {  	_ =	swait.ge [sflag:s21], $0x50  }
0x21: {  	[sflag:s21] =	ssyncset.done $0x0  }
0x22: {  	s31 =	sadd.s32 s28, s13;
	[sflag:s21] =	ssyncadd.s32 $0xFFFFFFB0  }
0x23: {  	[tilespmem:s22], [sflag:$0x2] =	stream.linear.gather [hbm4b:s31+s26], $0x50, $0x38;
	[tilespmem:$0xCDF0] =	vst v63  }
0x24: {  	_ =	swait.ge [sflag:s21], $0x50  }
0x25: {  	[sflag:s21] =	ssyncset.done $0x0  }
0x26: {  	[sflag:s21] =	ssyncadd.s32 $0xFFFFFFB0  }
0x27: {  	[tilespmem:s23], [sflag:$0x1] =	stream.indirect.gather [hbm4b:s4+s22], $0x20, s26, s22, $0xb8;
	[tilespmem:$0xCDF0] =	vst v63  }
0x28: {  	v1 =	vld [tilespmem:$0x0];
	_ =	sdelay $0x7  }
0x29: {  	[tilespmem:v1+s20+$0x0] =	vst.idx.add.f32.msk $0xffff, v0  }
0x2a: {  	v1 =	vld [tilespmem:$0x10];
	_ =	sdelay $0x7  }
0x2b: {  	[tilespmem:v1+s20+$0x0] =	vst.idx.add.f32.msk $0xffff, v0  }
0x2c: {  	v1 =	vld [tilespmem:$0x20];
	_ =	sdelay $0x7  }
0x2d: {  	[tilespmem:v1+s20+$0x0] =	vst.idx.add.f32.msk $0xffff, v0  }
0x2e: {  	v1 =	vld [tilespmem:$0x30];
	_ =	sdelay $0x7  }
0x2f: {  	[tilespmem:v1+s20+$0x0] =	vst.idx.add.f32.msk $0xffff, v0  }
0x30: {  	v1 =	vld [tilespmem:$0x40];
	_ =	sdelay $0x7  }
0x31: {  	[tilespmem:v1+s20+$0x0] =	vst.idx.add.f32.msk $0xffff, v0  }
0x32: {  	_ =	swait.ge [sflag:s24], $0xA00  }
0x33: {  	p1 =	sne.s32 s28, $0x4D8;
	[sflag:s24] =	ssyncset.done $0x0  }
.Ltmp0:
0x34: {  	[sflag:s24] =	ssyncadd.s32 $0xFFFFF600;
	(pc) =	sbr.rel @p1 .LBB2_2-.Ltmp0, $4  }
0x35: {  	[spmem:s1] =	stream.indirect.scatter.add.f32 [tilespmem:s23], [sflag:$0x2], $0x20, s22, s22, $0xb8;
	[tilespmem:$0xCDF0] =	vst v63  }
0x36: {  	_ =	swait.ge [sflag:s21], $0xA00  }
0x37: {  	[sflag:s21] =	ssyncset.done $0x0  }
0x38: {  	s28 =	sadd.s32 $0xA, s28;
	[sflag:s21] =	ssyncadd.s32 $0xFFFFF600  }
0x39: {  	s28 =	simm.s32 $0x0  }
.LBB2_4:
0x3a: {  	s29 =	sadd.s32 s28, s14  }
0x3b: {  	[tilespmem:s26], [sflag:$0x2] =	stream.linear.gather [hbm4b:s29+s26], $0x50, $0x38;
	[tilespmem:$0xCDF0] =	vst v63  }
0x3c: {  	_ =	swait.ge [sflag:s21], $0x50  }
0x3d: {  	[sflag:s21] =	ssyncset.done $0x0  }
0x3e: {  	s31 =	sadd.s32 s28, s15;
	[sflag:s21] =	ssyncadd.s32 $0xFFFFFFB0  }
0x3f: {  	[tilespmem:s22], [sflag:$0x2] =	stream.linear.gather [hbm4b:s31+s26], $0x50, $0x38;
	[tilespmem:$0xCDF0] =	vst v63  }
0x40: {  	_ =	swait.ge [sflag:s21], $0x50  }
0x41: {  	[sflag:s21] =	ssyncset.done $0x0  }
0x42: {  	[sflag:s21] =	ssyncadd.s32 $0xFFFFFFB0  }
0x43: {  	[tilespmem:s23], [sflag:$0x1] =	stream.indirect.gather [hbm4b:s5+s22], $0x20, s26, s22, $0xb8;
	[tilespmem:$0xCDF0] =	vst v63  }
0x44: {  	v1 =	vld [tilespmem:$0x0];
	_ =	sdelay $0x4  }
0x45: {  	v1 =	vadd.s32 $0x2710, v1;
	_ =	sdelay $0x4  }
0x46: {  	[tilespmem:v1+s20+$0x0] =	vst.idx.add.f32.msk $0xffff, v0  }
0x47: {  	v1 =	vld [tilespmem:$0x10];
	_ =	sdelay $0x4  }
0x48: {  	v1 =	vadd.s32 $0x2710, v1;
	_ =	sdelay $0x4  }
0x49: {  	[tilespmem:v1+s20+$0x0] =	vst.idx.add.f32.msk $0xffff, v0  }
0x4a: {  	v1 =	vld [tilespmem:$0x20];
	_ =	sdelay $0x4  }
0x4b: {  	v1 =	vadd.s32 $0x2710, v1;
	_ =	sdelay $0x4  }
0x4c: {  	[tilespmem:v1+s20+$0x0] =	vst.idx.add.f32.msk $0xffff, v0  }
0x4d: {  	v1 =	vld [tilespmem:$0x30];
	_ =	sdelay $0x4  }
0x4e: {  	v1 =	vadd.s32 $0x2710, v1;
	_ =	sdelay $0x4  }
0x4f: {  	[tilespmem:v1+s20+$0x0] =	vst.idx.add.f32.msk $0xffff, v0  }
0x50: {  	v1 =	vld [tilespmem:$0x40];
	_ =	sdelay $0x4  }
0x51: {  	v1 =	vadd.s32 $0x2710, v1;
	_ =	sdelay $0x4  }
0x52: {  	[tilespmem:v1+s20+$0x0] =	vst.idx.add.f32.msk $0xffff, v0  }
0x53: {  	_ =	swait.ge [sflag:s24], $0xA00  }
0x54: {  	p1 =	sne.s32 s28, $0x4D8;
	[sflag:s24] =	ssyncset.done $0x0  }
.Ltmp1:
0x55: {  	[sflag:s24] =	ssyncadd.s32 $0xFFFFF600;
	(pc) =	sbr.rel @p1 .LBB2_4-.Ltmp1, $4  }
0x56: {  	[spmem:s1] =	stream.indirect.scatter.add.f32 [tilespmem:s23], [sflag:$0x2], $0x20, s22, s22, $0xb8;
	[tilespmem:$0xCDF0] =	vst v63  }
0x57: {  	_ =	swait.ge [sflag:s21], $0xA00  }
0x58: {  	[sflag:s21] =	ssyncset.done $0x0  }
0x59: {  	s28 =	sadd.s32 $0xA, s28;
	[sflag:s21] =	ssyncadd.s32 $0xFFFFF600  }
.LBB2_5:
0x5a: {  	s28 =	sadd.s32 s26, s16  }
0x5b: {  	[tilespmem:s3], [sflag:$0x2] =	stream.linear.gather [hbm4b:s28+s3], $0x50, $0x38;
	[tilespmem:$0xCDF0] =	vst v63  }
0x5c: {  	_ =	swait.ge [sflag:s21], $0x50  }
0x5d: {  	[sflag:s21] =	ssyncset.done $0x0  }
0x5e: {  	s31 =	sadd.s32 s26, s17;
	[sflag:s21] =	ssyncadd.s32 $0xFFFFFFB0  }
0x5f: {  	[tilespmem:s22], [sflag:$0x2] =	stream.linear.gather [hbm4b:s31+s3], $0x50, $0x38;
	[tilespmem:$0xCDF0] =	vst v63  }
0x60: {  	_ =	swait.ge [sflag:s21], $0x50  }
0x61: {  	[sflag:s21] =	ssyncset.done $0x0  }
0x62: {  	[sflag:s21] =	ssyncadd.s32 $0xFFFFFFB0  }
0x63: {  	[tilespmem:s23], [sflag:$0x1] =	stream.indirect.gather [hbm4b:s6+s22], $0x20, s3, s22, $0xb8;
	[tilespmem:$0xCDF0] =	vst v63  }
0x64: {  	v1 =	vld [tilespmem:$0x0];
	_ =	sdelay $0x4  }
0x65: {  	v1 =	vadd.s32 $0x4E20, v1;
	_ =	sdelay $0x4  }
0x66: {  	[tilespmem:v1+s20+$0x0] =	vst.idx.add.f32.msk $0xffff, v0  }
0x67: {  	v1 =	vld [tilespmem:$0x10];
	_ =	sdelay $0x4  }
0x68: {  	v1 =	vadd.s32 $0x4E20, v1;
	_ =	sdelay $0x4  }
0x69: {  	[tilespmem:v1+s20+$0x0] =	vst.idx.add.f32.msk $0xffff, v0  }
0x6a: {  	v1 =	vld [tilespmem:$0x20];
	_ =	sdelay $0x4  }
0x6b: {  	v1 =	vadd.s32 $0x4E20, v1;
	_ =	sdelay $0x4  }
0x6c: {  	[tilespmem:v1+s20+$0x0] =	vst.idx.add.f32.msk $0xffff, v0  }
0x6d: {  	v1 =	vld [tilespmem:$0x30];
	_ =	sdelay $0x4  }
0x6e: {  	v1 =	vadd.s32 $0x4E20, v1;
	_ =	sdelay $0x4  }
0x6f: {  	[tilespmem:v1+s20+$0x0] =	vst.idx.add.f32.msk $0xffff, v0  }
0x70: {  	v1 =	vld [tilespmem:$0x40];
	_ =	sdelay $0x4  }
0x71: {  	v1 =	vadd.s32 $0x4E20, v1;
	_ =	sdelay $0x4  }
0x72: {  	[tilespmem:v1+s20+$0x0] =	vst.idx.add.f32.msk $0xffff, v0  }
0x73: {  	_ =	swait.ge [sflag:s24], $0xA00  }
0x74: {  	p1 =	sne.s32 s26, $0x4D8;
	[sflag:s24] =	ssyncset.done $0x0  }
.Ltmp2:
0x75: {  	[sflag:s24] =	ssyncadd.s32 $0xFFFFF600;
	(pc) =	sbr.rel @p1 .LBB2_5-.Ltmp2, $4  }
0x76: {  	[spmem:s1] =	stream.indirect.scatter.add.f32 [tilespmem:s23], [sflag:$0x2], $0x20, s22, s22, $0xb8;
	[tilespmem:$0xCDF0] =	vst v63  }
0x77: {  	_ =	swait.ge [sflag:s21], $0xA00  }
0x78: {  	[sflag:s21] =	ssyncset.done $0x0  }
0x79: {  	s26 =	sadd.s32 $0xA, s26;
	[sflag:s21] =	ssyncadd.s32 $0xFFFFF600  }
0x7a: {  	[bflag:$0x0] =	sbarrier.arrive $0xFFFF;
	s26 =	simm.s32 @!p0 $0x2  }
0x7b: {  	[hbm:s9], [sflag:s18] =	dma.local @!p0 [spmem:s19], $0xFA0  }
0x7c: {  	s25 =	sadd.s32 $0x1, s25;
	_ =	swait.ge @!p0 [sflag:s26], $0xFA0  }
0x7d: {  	p1 =	sne.s32 s25, s11;
	[sflag:s26] =	ssyncset.done @!p0 $0x0  }
.Ltmp3:
0x7e: {  	[sflag:s26] =	ssyncadd.s32 @!p0 $0xFFFFF060;
	(pc) =	sbr.rel @p1 .LBB2_1-.Ltmp3, $4  }
0x7f: {  	[hbm4b:s10+s3] =	stream.linear.scatter [tilespmem:s20], [sflag:$0x2], $0x7530, $0x38;
	[tilespmem:$0xCDF0] =	vst v63  }
0x80: {  	_ =	swait.ge [sflag:s21], $0x7530  }
0x81: {  	[sflag:s21] =	ssyncset.done $0x0  }
0x82: {  	[sflag:s21] =	ssyncadd.s32 $0xFFFF8AD0  }
0x83: {  	_ =	sfence.sel $0x180000  }
0x84: {  	[bflag:$0x0] =	sbarrier.arrive $0xFFFF  }
0x85: {  	p0 =	sne.s32 s2, $0x0;
	_ =	strace $0x90000047  }
0x86: {  	s0 =	sadd.s32 @!p0 $0x100000, s0;
	[bflag:$0x2] =	sbarrier.arrive $0xFFFF  }
0x87: {  	[sflag:s0] =	ssyncadd.tile.s32 @!p0 $0x1;
	_ =	shalt  }
.Lfunc_end2:
_tile_overlayer_lowered:
.L_overlay_start_2:
0x88: {  	(tag) =	ssettag $0x2  }
0x89: {  	s0 =	rddreg [dreg:$0x0];
	s2 =	stileid.u32  }
0x8a: {  	s1 =	rddreg [dreg:$0x1];
	p0 =	sne.s32 s2, $0x0  }
0x8b: {  	s3 =	rddreg [dreg:$0x2];
	[bflag:$0x3] =	sbarrier.arrive $0xFFFF;
	s2 =	simm.s32 @!p0 $0x1C02  }
0x8c: {  	[timem:s3], [sflag:s2] =	dma.local @!p0 [hbm:s0], s1  }
0x8d: {  	s0 =	simm.s32 @!p0 $0x2  }
0x8e: {  	_ =	swait.ge @!p0 [sflag:s0], s1  }
0x8f: {  	s1 =	ssub.s32 @!p0 $0x0, s1;
	[sflag:s0] =	ssyncset.done @!p0 $0x0  }
0x90: {  	[sflag:s0] =	ssyncadd.s32 @!p0 s1  }
0x91: {  	[bflag:$0x3] =	sbarrier.arrive $0xFFFF  }
0x92: {  	_ =	shalt  }

</sc_bundles>
